<compile_context>
chip_gen: v7x
topology: tpu7x:2x2x1
jax: 0.10.2.dev20260603
libtpu: 0.0.44.dev20260713+nightly
codegen_flags: <defaults>
</compile_context>

<pallas_src>
import functools

import jax
import jax.numpy as jnp
from jax import lax
from jax.experimental import pallas as pl
from jax.experimental.pallas import tpu as pltpu
from jax.experimental.pallas import tpu_sc as plsc

_NC = 2
_NS = 16


def _pq_body(nf_ref, w_ref, p_ref, q_ref):
    pq = jnp.dot(nf_ref[...], w_ref[...], preferred_element_type=jnp.float32)
    h = pq.shape[1] // 2
    p_ref[...] = pq[:, :h]
    q_ref[...] = pq[:, h:]


def _project_nodes(nf, wpq):
    n = nf.shape[0]
    h2 = wpq.shape[1]
    return pl.pallas_call(
        _pq_body,
        out_shape=(
            jax.ShapeDtypeStruct((n, h2 // 2), jnp.float32),
            jax.ShapeDtypeStruct((n, h2 // 2), jnp.float32),
        ),
    )(nf, wpq)


def _sc_gather(table, idx):
    e = idx.shape[0]
    d = table.shape[1]
    nw = _NC * _NS
    per_w = e // nw
    ch = 1000
    n_ch = per_w // ch
    mesh = plsc.VectorSubcoreMesh(core_axis_name="c", subcore_axis_name="s")

    @functools.partial(
        pl.kernel,
        mesh=mesh,
        out_type=jax.ShapeDtypeStruct((e, d), jnp.float32),
        scratch_types=[
            pltpu.VMEM((per_w,), jnp.int32),
            pltpu.VMEM((ch, d), jnp.float32),
            pltpu.SemaphoreType.DMA,
        ],
        compiler_params=pltpu.CompilerParams(use_tc_tiling_on_sc=False),
    )
    def k(table_hbm, idx_hbm, out_hbm, idx_v, rows_v, sem):
        wid = lax.axis_index("s") * _NC + lax.axis_index("c")
        base = wid * per_w
        pltpu.sync_copy(idx_hbm.at[pl.ds(base, per_w)], idx_v)
        for c in range(n_ch):
            pltpu.async_copy(
                table_hbm.at[idx_v.at[pl.ds(c * ch, ch)]], rows_v, sem
            ).wait()
            pltpu.sync_copy(rows_v, out_hbm.at[pl.ds(base + c * ch, ch)])

    return k(table, idx)


def _main_body(ef_ref, st_ref, el_ref, ps_ref, q_ref, wx_ref, whh_ref,
               aux_ref, w2_ref, out_ref, *, deg, t_steps, h, dt):
    f32 = jnp.float32
    b = ef_ref.shape[0]
    npb = out_ref.shape[0]
    gw = 8 * h

    bf16 = jnp.bfloat16
    bcat = aux_ref[0:1, :].astype(bf16)
    el = el_ref[...]

    tdt = t_steps * dt
    twall = aux_ref[5:6, 0:tdt]
    tball = aux_ref[6:7, 0:tdt]
    lane = lax.broadcasted_iota(jnp.int32, (1, tdt), 1)
    sin_mask = (lane % dt) < (dt - 1)
    pre = st_ref[...] * twall + tball
    tv_all = jnp.where(sin_mask, jnp.sin(pre), pre).astype(bf16)

    xall = jnp.concatenate([ef_ref[...], tv_all], axis=1)
    xg = jnp.dot(xall, wx_ref[...], preferred_element_type=f32)

    whh = whh_ref[...]

    h2 = jnp.zeros((b, 2 * h), bf16)
    c2 = jnp.zeros((b, 2 * h), f32)
    hl2 = jnp.zeros((b, 2 * h), bf16)

    for t in range(t_steps):
        acc = xg[:, t * gw:(t + 1) * gw]
        if t > 0:
            acc = acc + jnp.dot(h2, whh, preferred_element_type=f32)
        g = acc.astype(bf16) + bcat
        i2 = jax.nn.sigmoid(g[:, 0:2 * h])
        f2 = jax.nn.sigmoid(g[:, 2 * h:4 * h])
        g2 = jnp.tanh(g[:, 4 * h:6 * h])
        o2 = jax.nn.sigmoid(g[:, 6 * h:8 * h])
        c2 = f2.astype(f32) * c2 + (i2 * g2).astype(f32)
        h2 = o2 * jnp.tanh(c2).astype(bf16)
        sel = el == (t + 1)
        hl2 = jnp.where(sel, h2, hl2)

    hle = hl2[:, 0:h]
    hla = hl2[:, h:2 * h]

    wat = aux_ref[2:3, 0:h]
    av = jnp.sum(hla.astype(f32) * wat, axis=1, keepdims=True)
    av = jnp.where(av >= 0, av, 0.01 * av)

    beo = aux_ref[3:4, 0:h]
    m = jnp.maximum(
        ps_ref[...]
        + jnp.dot(hle, w2_ref[:, 0:h], preferred_element_type=f32) + beo,
        0.0)

    rowi = lax.broadcasted_iota(jnp.int32, (b, deg), 0)
    coli = lax.broadcasted_iota(jnp.int32, (b, deg), 1)
    d_mask = (rowi % deg) == coli
    ad = jnp.where(d_mask, av, 0.0)
    ni = lax.broadcasted_iota(jnp.int32, (npb, b), 0)
    ji = lax.broadcasted_iota(jnp.int32, (npb, b), 1)
    seg = ((ji // deg) == ni).astype(f32)
    a_mat = jnp.dot(seg, ad, preferred_element_type=f32)

    f_at = jnp.zeros((npb, deg), f32)
    lane_d = lax.broadcasted_iota(jnp.int32, (npb, deg), 1)
    for dd in range(deg):
        zd = a_mat[:, dd:dd + 1]
        fd = jnp.sum(jnp.maximum(a_mat - zd, 0.0), axis=1, keepdims=True)
        f_at = jnp.where(lane_d == dd, fd, f_at)
    supp = f_at < 1.0
    kk = jnp.sum(supp.astype(f32), axis=1, keepdims=True)
    tau = (jnp.sum(jnp.where(supp, a_mat, 0.0), axis=1, keepdims=True)
           - 1.0) / kk
    alpha = jnp.maximum(a_mat - tau, 0.0)

    rowi2 = lax.broadcasted_iota(jnp.int32, (b, npb), 0)
    coli2 = lax.broadcasted_iota(jnp.int32, (b, npb), 1)
    segb = ((rowi2 // deg) == coli2).astype(f32)
    alpha_up = jnp.dot(segb, alpha, preferred_element_type=f32)
    alpha_flat = jnp.sum(jnp.where(d_mask, alpha_up, 0.0), axis=1,
                         keepdims=True)

    h_neigh = jnp.dot(seg, alpha_flat * m, preferred_element_type=f32)

    bno = aux_ref[4:5, 0:h]
    out_ref[...] = jnp.maximum(
        q_ref[...]
        + jnp.dot(h_neigh, w2_ref[:, h:2 * h], preferred_element_type=f32)
        + bno,
        0.0)


def kernel(node_features, edge_src, edge_features, edge_len, seq_times,
           t_w0, t_b0, t_w, t_b,
           e_wih, e_whh, e_bih, e_bhh,
           a_wih, a_whh, a_bih, a_bhh,
           w_attn, w_eout, b_eout, w_node, b_node):
    n, node_in = node_features.shape
    e, t_steps, ein = edge_features.shape
    deg = e // n
    h = e_whh.shape[1]
    dt = t_w.shape[1] + 1
    lstm_in = ein + dt

    gw = 8 * h
    wpq = jnp.concatenate(
        [w_eout[:, :node_in], w_node[:, :node_in]], axis=0).T

    def _pairgates(mat):
        return jnp.concatenate(
            [mat[..., q * h:(q + 1) * h] for pair in range(4)
             for q in (pair, pair + 4)], axis=-1)

    wih32 = _pairgates(
        jnp.concatenate([e_wih.T, a_wih.T], axis=1))
    wx = jnp.zeros((t_steps * (ein + dt), t_steps * gw), jnp.float32)
    for t in range(t_steps):
        wx = wx.at[t * ein:(t + 1) * ein, t * gw:(t + 1) * gw].set(
            wih32[:ein])
        wx = wx.at[t_steps * ein + t * dt:t_steps * ein + (t + 1) * dt,
                   t * gw:(t + 1) * gw].set(wih32[ein:])
    wx = wx.astype(jnp.bfloat16)

    whh = _pairgates(jnp.concatenate([
        jnp.concatenate([e_whh.T, jnp.zeros((h, 4 * h), jnp.float32)],
                        axis=1),
        jnp.concatenate([jnp.zeros((h, 4 * h), jnp.float32), a_whh.T],
                        axis=1),
    ], axis=0)).astype(jnp.bfloat16)

    bcat = _pairgates(
        jnp.concatenate([e_bih + e_bhh, a_bih + a_bhh]))
    tw1 = jnp.concatenate([t_w[0], t_w0[0]])
    tb1 = jnp.concatenate([t_b, t_b0])
    aux = jnp.zeros((8, gw), jnp.float32)
    aux = aux.at[0, :].set(bcat)
    aux = aux.at[2, 0:h].set(w_attn[0])
    aux = aux.at[3, 0:h].set(b_eout)
    aux = aux.at[4, 0:h].set(b_node)
    aux = aux.at[5, 0:t_steps * dt].set(jnp.tile(tw1, t_steps))
    aux = aux.at[6, 0:t_steps * dt].set(jnp.tile(tb1, t_steps))

    w2 = jnp.concatenate(
        [w_eout[:, node_in:].T, w_node[:, node_in:].T], axis=1)

    ef2 = edge_features.reshape(e, t_steps * ein).astype(jnp.bfloat16)
    st_rep = jnp.repeat(seq_times, dt, axis=1)
    el2 = edge_len.reshape(e, 1)

    p_tab, q_tab = _project_nodes(node_features, wpq)

    p_src = _sc_gather(p_tab, edge_src)

    npb = 80
    bb = npb * deg
    grid = (n // npb,)
    body = functools.partial(_main_body, deg=deg, t_steps=t_steps, h=h,
                             dt=dt)
    out = pl.pallas_call(
        body,
        grid=grid,
        in_specs=[
            pl.BlockSpec((bb, t_steps * ein), lambda i: (i, 0)),
            pl.BlockSpec((bb, t_steps * dt), lambda i: (i, 0)),
            pl.BlockSpec((bb, 1), lambda i: (i, 0)),
            pl.BlockSpec((bb, h), lambda i: (i, 0)),
            pl.BlockSpec((npb, h), lambda i: (i, 0)),
            pl.BlockSpec((t_steps * (ein + dt), t_steps * gw),
                         lambda i: (0, 0)),
            pl.BlockSpec((2 * h, gw), lambda i: (0, 0)),
            pl.BlockSpec((8, gw), lambda i: (0, 0)),
            pl.BlockSpec((h, 2 * h), lambda i: (0, 0)),
        ],
        out_specs=pl.BlockSpec((npb, h), lambda i: (i, 0)),
        out_shape=jax.ShapeDtypeStruct((n, h), jnp.float32),
    )(ef2, st_rep, el2, p_src, q_tab, wx, whh, aux, w2)
    return out

# --- scband reference (transcript-rebuilt; emitter-appended) ---
"""Pipeline reference for scband-gtealstmt2-vlayer-1331439862434 (READ-ONLY COPY).

The authoritative reference and input builder live on the scoring server;
editing this copy changes nothing except your own understanding.
"""

import jax, jax.numpy as jnp
import numpy as np

N = 10000
DEG = 16
E = N * DEG
T = 8
NODE_IN = 128
H = 64
EDGE_IN = 16
DT = 16
LSTM_IN = EDGE_IN + DT


def time2vec(t, w0, b0, w, b):
    # t: [M, 1] -> [M, DT]; periodic part + linear part (Time2Vec / SineActivation)
    v1 = jnp.sin(t @ w + b)
    v2 = t @ w0 + b0
    return jnp.concatenate([v1, v2], axis=-1)


def lstm_last(x, lens, wih, whh, bih, bhh):
    # x: [E, T, in]; returns hidden state at last valid timestep per sequence: [E, H]
    xs = jnp.transpose(x, (1, 0, 2))
    Eb = x.shape[0]
    Hh = whh.shape[1]
    h0 = jnp.zeros((Eb, Hh), x.dtype)
    c0 = jnp.zeros((Eb, Hh), x.dtype)

    def step(carry, xt):
        h, c = carry
        g = xt @ wih.T + h @ whh.T + bih + bhh
        i, f, gg, o = jnp.split(g, 4, axis=-1)
        i = jax.nn.sigmoid(i)
        f = jax.nn.sigmoid(f)
        gg = jnp.tanh(gg)
        o = jax.nn.sigmoid(o)
        c = f * c + i * gg
        h = o * jnp.tanh(c)
        return (h, c), h

    _, hs = jax.lax.scan(step, (h0, c0), xs)
    hs = jnp.transpose(hs, (1, 0, 2))  # [E, T, H]
    idx = (lens - 1).astype(jnp.int32)
    return jnp.take_along_axis(hs, idx[:, None, None], axis=1)[:, 0, :]


def sparsemax(z):
    # z: [N, K], sparsemax over last dim
    z = z - jnp.max(z, axis=-1, keepdims=True)
    zs = -jnp.sort(-z, axis=-1)
    K = z.shape[-1]
    r = jnp.arange(1, K + 1, dtype=z.dtype)
    bound = 1.0 + r * zs
    cs = jnp.cumsum(zs, axis=-1)
    is_gt = (bound > cs).astype(z.dtype)
    k = jnp.max(is_gt * r, axis=-1, keepdims=True)
    taus = (jnp.sum(is_gt * zs, axis=-1, keepdims=True) - 1.0) / k
    return jnp.maximum(0.0, z - taus)


def setup_inputs(seed: int = 0) -> dict:
    key = jax.random.key(seed)
    ks = jax.random.split(key, 24)

    def p(k, shape, scale=0.1):
        return jax.random.normal(k, shape, dtype=jnp.float32) * scale

    inp = {}
    inp['node_features'] = jax.random.normal(ks[0], (N, NODE_IN), dtype=jnp.float32)
    # dst node of edge j is implicitly j // DEG (regular in-degree DEG graph)
    inp['edge_src'] = jax.random.randint(ks[1], (E,), 0, N, dtype=jnp.int32)
    inp['edge_features'] = jax.random.normal(ks[2], (E, T, EDGE_IN), dtype=jnp.float32)
    inp['edge_len'] = jax.random.randint(ks[3], (E,), 1, T + 1, dtype=jnp.int32)
    inp['seq_times'] = jax.random.uniform(ks[4], (E, T), dtype=jnp.float32) * 10.0
    # SineActivation (time2vec) params
    inp['t_w0'] = p(ks[5], (1, 1))
    inp['t_b0'] = p(ks[6], (1,))
    inp['t_w'] = p(ks[7], (1, DT - 1))
    inp['t_b'] = p(ks[8], (DT - 1,))
    # edge LSTM params (gate order i,f,g,o like torch)
    inp['e_wih'] = p(ks[9], (4 * H, LSTM_IN))
    inp['e_whh'] = p(ks[10], (4 * H, H))
    inp['e_bih'] = p(ks[11], (4 * H,))
    inp['e_bhh'] = p(ks[12], (4 * H,))
    # attention LSTM params
    inp['a_wih'] = p(ks[13], (4 * H, LSTM_IN))
    inp['a_whh'] = p(ks[14], (4 * H, H))
    inp['a_bih'] = p(ks[15], (4 * H,))
    inp['a_bhh'] = p(ks[16], (4 * H,))
    # linear layers
    inp['w_attn'] = p(ks[17], (1, H))
    inp['w_eout'] = p(ks[18], (H, NODE_IN + H))
    inp['b_eout'] = jnp.zeros((H,), jnp.float32)
    inp['w_node'] = p(ks[19], (H, NODE_IN + H))
    inp['b_node'] = jnp.zeros((H,), jnp.float32)
    return inp


def reference(node_features, edge_src, edge_features, edge_len, seq_times,
              t_w0, t_b0, t_w, t_b,
              e_wih, e_whh, e_bih, e_bhh,
              a_wih, a_whh, a_bih, a_bhh,
              w_attn, w_eout, b_eout, w_node, b_node):
    Eb = edge_features.shape[0]
    # message_func: gather src node feats per edge
    h_src = jnp.take(node_features, edge_src, axis=0)  # [E, NODE_IN]
    tv = time2vec(seq_times.reshape(-1, 1), t_w0, t_b0, t_w, t_b).reshape(Eb, T, DT)
    e = jnp.concatenate([edge_features, tv], axis=-1)  # [E, T, LSTM_IN]
    e_out = lstm_last(e, edge_len, e_wih, e_whh, e_bih, e_bhh)  # [E, H]
    a = lstm_last(e, edge_len, a_wih, a_whh, a_bih, a_bhh)  # [E, H]
    a = a @ w_attn.T  # [E, 1]
    a = jax.nn.leaky_relu(a, 0.01)
    m = jax.nn.relu(jnp.concatenate([h_src, e_out], axis=1) @ w_eout.T + b_eout)  # [E, H]
    # reduce_func: regular in-degree DEG -> mailbox is a reshape
    a = a.reshape(N, DEG)
    m = m.reshape(N, DEG, H)
    alpha = sparsemax(a)[..., None]
    h_neigh = jnp.sum(alpha * m, axis=1)  # [N, H]
    h = jax.nn.relu(jnp.concatenate([node_features, h_neigh], axis=1) @ w_node.T + b_node)
    return h


if False:  # reference __main__ guard neutralized (emitter)
    out = reference(**setup_inputs())
    print(out.shape, out.dtype)

if __name__ == "__main__":
    import jax
    _d = setup_inputs()
    print(jax.jit(kernel)(*tuple(_d.values())))

</pallas_src>

<mosaic_0001>
#map = affine_map<(d0, d1) -> (0, 0)>
#map1 = affine_map<(d0, d1) -> (0)>
module attributes {stable_mosaic.version = 14 : i64} {
  func.func @k(%arg0: i32, %arg1: i32, %arg2: memref<10000x64xf32, #tpu.memory_space<hbm>>, %arg3: memref<160000xi32, #tpu.memory_space<hbm>>, %arg4: memref<160000x64xf32, #tpu.memory_space<hbm>>, %arg5: memref<5000xi32, #tpu.memory_space<vmem>>, %arg6: memref<1000x64xf32, #tpu.memory_space<vmem>>, %arg7: memref<!tpu.dma_semaphore, #tpu.memory_space<semaphore_mem>>) attributes {dimension_semantics = [#tpu.dimension_semantics<core_parallel>, #tpu.dimension_semantics<subcore_parallel>], iteration_bounds = array<i64: 2, 16>, scalar_prefetch = 0 : i64, scratch_operands = 3 : i64, tpu.core_type = #tpu.core_type<sc_vector_subcore>, window_params = [{transform_indices = #map}, {transform_indices = #map1}, {transform_indices = #map}]} {
    %mul3A = arith.constant 2 : i32
    %mul3A_0 = arith.muli %arg1, %mul3A : i32
    %add3A = arith.addi %mul3A_0, %arg0 : i32
    %mul3A_1 = arith.constant 5000 : i32
    %mul3A_2 = arith.muli %add3A, %mul3A_1 : i32
    "tpu.region"() ({
      %run_scoped3A = tpu.sem_alloc : memref<!tpu.dma_semaphore, #tpu.memory_space<semaphore_mem>>
      %dma_start3A_61 = tpu.memref_slice %arg3[%mul3A_2] : memref<160000xi32, #tpu.memory_space<hbm>> -> memref<5000xi32, #tpu.memory_space<hbm>>
      %dma_start3A_62 = tpu.memref_slice %arg3[%mul3A_2] : memref<160000xi32, #tpu.memory_space<hbm>> -> memref<5000xi32, #tpu.memory_space<hbm>>
      tpu.enqueue_dma source(%dma_start3A_62 : memref<5000xi32, #tpu.memory_space<hbm>>) target(%arg5 : memref<5000xi32, #tpu.memory_space<vmem>>) target_semaphore(%run_scoped3A : memref<!tpu.dma_semaphore, #tpu.memory_space<semaphore_mem>>)
      %dma_wait3A_63 = tpu.memref_slice %arg3[%mul3A_2] : memref<160000xi32, #tpu.memory_space<hbm>> -> memref<5000xi32, #tpu.memory_space<hbm>>
      %dma_wait3A_64 = tpu.memref_slice %arg3[%mul3A_2] : memref<160000xi32, #tpu.memory_space<hbm>> -> memref<5000xi32, #tpu.memory_space<hbm>>
      tpu.wait_dma2 semaphore(%run_scoped3A : memref<!tpu.dma_semaphore, #tpu.memory_space<semaphore_mem>>) src(%dma_wait3A_64 : memref<5000xi32, #tpu.memory_space<hbm>>) dst(%arg5 : memref<5000xi32, #tpu.memory_space<vmem>>)
      tpu.yield
    }) : () -> ()
    %dma_start3A = arith.constant 0 : i32
    %dma_start3A_3 = tpu.memref_slice %arg5[%dma_start3A] : memref<5000xi32, #tpu.memory_space<vmem>> -> memref<1000xi32, #tpu.memory_space<vmem>>
    %dma_start3A_4 = arith.constant 0 : i32
    %dma_start3A_5 = arith.constant 0 : i32
    %dma_start3A_6 = tpu.memref_slice %arg2[%dma_start3A_4, %dma_start3A_5] : memref<10000x64xf32, #tpu.memory_space<hbm>> -> memref<10000x64xf32, #tpu.memory_space<hbm>>
    tpu.enqueue_indirect_dma source(%dma_start3A_6 : memref<10000x64xf32, #tpu.memory_space<hbm>>) target(%arg6 : memref<1000x64xf32, #tpu.memory_space<vmem>>) offsets(%dma_start3A_3 : memref<1000xi32, #tpu.memory_space<vmem>>) semaphore(%arg7 : memref<!tpu.dma_semaphore, #tpu.memory_space<semaphore_mem>>)
    %dma_wait3A = arith.constant 0 : i32
    %dma_wait3A_7 = tpu.memref_slice %arg5[%dma_wait3A] : memref<5000xi32, #tpu.memory_space<vmem>> -> memref<1000xi32, #tpu.memory_space<vmem>>
    %dma_wait3A_8 = arith.constant 0 : i32
    %dma_wait3A_9 = arith.constant 0 : i32
    %dma_wait3A_10 = tpu.memref_slice %arg2[%dma_wait3A_8, %dma_wait3A_9] : memref<10000x64xf32, #tpu.memory_space<hbm>> -> memref<10000x64xf32, #tpu.memory_space<hbm>>
    tpu.wait_indirect_dma semaphore(%arg7 : memref<!tpu.dma_semaphore, #tpu.memory_space<semaphore_mem>>) src(%dma_wait3A_10 : memref<10000x64xf32, #tpu.memory_space<hbm>>) dst(%arg6 : memref<1000x64xf32, #tpu.memory_space<vmem>>)
    %add3A_11 = arith.constant 0 : i32
    %add3A_12 = arith.addi %mul3A_2, %add3A_11 : i32
    "tpu.region"() ({
      %run_scoped3A = tpu.sem_alloc : memref<!tpu.dma_semaphore, #tpu.memory_space<semaphore_mem>>
      %dma_start3A_61 = arith.constant 0 : i32
      %dma_start3A_62 = tpu.memref_slice %arg4[%add3A_12, %dma_start3A_61] : memref<160000x64xf32, #tpu.memory_space<hbm>> -> memref<1000x64xf32, #tpu.memory_space<hbm>>
      %dma_start3A_63 = arith.constant 0 : i32
      %dma_start3A_64 = tpu.memref_slice %arg4[%add3A_12, %dma_start3A_63] : memref<160000x64xf32, #tpu.memory_space<hbm>> -> memref<1000x64xf32, #tpu.memory_space<hbm>>
      tpu.enqueue_dma source(%arg6 : memref<1000x64xf32, #tpu.memory_space<vmem>>) target(%dma_start3A_64 : memref<1000x64xf32, #tpu.memory_space<hbm>>) target_semaphore(%run_scoped3A : memref<!tpu.dma_semaphore, #tpu.memory_space<semaphore_mem>>)
      %dma_wait3A_65 = arith.constant 0 : i32
      %dma_wait3A_66 = tpu.memref_slice %arg4[%add3A_12, %dma_wait3A_65] : memref<160000x64xf32, #tpu.memory_space<hbm>> -> memref<1000x64xf32, #tpu.memory_space<hbm>>
      %dma_wait3A_67 = arith.constant 0 : i32
      %dma_wait3A_68 = tpu.memref_slice %arg4[%add3A_12, %dma_wait3A_67] : memref<160000x64xf32, #tpu.memory_space<hbm>> -> memref<1000x64xf32, #tpu.memory_space<hbm>>
      tpu.wait_dma2 semaphore(%run_scoped3A : memref<!tpu.dma_semaphore, #tpu.memory_space<semaphore_mem>>) src(%arg6 : memref<1000x64xf32, #tpu.memory_space<vmem>>) dst(%dma_wait3A_68 : memref<1000x64xf32, #tpu.memory_space<hbm>>)
      tpu.yield
    }) : () -> ()
    %dma_start3A_13 = arith.constant 1000 : i32
    %dma_start3A_14 = tpu.memref_slice %arg5[%dma_start3A_13] : memref<5000xi32, #tpu.memory_space<vmem>> -> memref<1000xi32, #tpu.memory_space<vmem>>
    %dma_start3A_15 = arith.constant 0 : i32
    %dma_start3A_16 = arith.constant 0 : i32
    %dma_start3A_17 = tpu.memref_slice %arg2[%dma_start3A_15, %dma_start3A_16] : memref<10000x64xf32, #tpu.memory_space<hbm>> -> memref<10000x64xf32, #tpu.memory_space<hbm>>
    tpu.enqueue_indirect_dma source(%dma_start3A_17 : memref<10000x64xf32, #tpu.memory_space<hbm>>) target(%arg6 : memref<1000x64xf32, #tpu.memory_space<vmem>>) offsets(%dma_start3A_14 : memref<1000xi32, #tpu.memory_space<vmem>>) semaphore(%arg7 : memref<!tpu.dma_semaphore, #tpu.memory_space<semaphore_mem>>)
    %dma_wait3A_18 = arith.constant 1000 : i32
    %dma_wait3A_19 = tpu.memref_slice %arg5[%dma_wait3A_18] : memref<5000xi32, #tpu.memory_space<vmem>> -> memref<1000xi32, #tpu.memory_space<vmem>>
    %dma_wait3A_20 = arith.constant 0 : i32
    %dma_wait3A_21 = arith.constant 0 : i32
    %dma_wait3A_22 = tpu.memref_slice %arg2[%dma_wait3A_20, %dma_wait3A_21] : memref<10000x64xf32, #tpu.memory_space<hbm>> -> memref<10000x64xf32, #tpu.memory_space<hbm>>
    tpu.wait_indirect_dma semaphore(%arg7 : memref<!tpu.dma_semaphore, #tpu.memory_space<semaphore_mem>>) src(%dma_wait3A_22 : memref<10000x64xf32, #tpu.memory_space<hbm>>) dst(%arg6 : memref<1000x64xf32, #tpu.memory_space<vmem>>)
    %add3A_23 = arith.constant 1000 : i32
    %add3A_24 = arith.addi %mul3A_2, %add3A_23 : i32
    "tpu.region"() ({
      %run_scoped3A = tpu.sem_alloc : memref<!tpu.dma_semaphore, #tpu.memory_space<semaphore_mem>>
      %dma_start3A_61 = arith.constant 0 : i32
      %dma_start3A_62 = tpu.memref_slice %arg4[%add3A_24, %dma_start3A_61] : memref<160000x64xf32, #tpu.memory_space<hbm>> -> memref<1000x64xf32, #tpu.memory_space<hbm>>
      %dma_start3A_63 = arith.constant 0 : i32
      %dma_start3A_64 = tpu.memref_slice %arg4[%add3A_24, %dma_start3A_63] : memref<160000x64xf32, #tpu.memory_space<hbm>> -> memref<1000x64xf32, #tpu.memory_space<hbm>>
      tpu.enqueue_dma source(%arg6 : memref<1000x64xf32, #tpu.memory_space<vmem>>) target(%dma_start3A_64 : memref<1000x64xf32, #tpu.memory_space<hbm>>) target_semaphore(%run_scoped3A : memref<!tpu.dma_semaphore, #tpu.memory_space<semaphore_mem>>)
      %dma_wait3A_65 = arith.constant 0 : i32
      %dma_wait3A_66 = tpu.memref_slice %arg4[%add3A_24, %dma_wait3A_65] : memref<160000x64xf32, #tpu.memory_space<hbm>> -> memref<1000x64xf32, #tpu.memory_space<hbm>>
      %dma_wait3A_67 = arith.constant 0 : i32
      %dma_wait3A_68 = tpu.memref_slice %arg4[%add3A_24, %dma_wait3A_67] : memref<160000x64xf32, #tpu.memory_space<hbm>> -> memref<1000x64xf32, #tpu.memory_space<hbm>>
      tpu.wait_dma2 semaphore(%run_scoped3A : memref<!tpu.dma_semaphore, #tpu.memory_space<semaphore_mem>>) src(%arg6 : memref<1000x64xf32, #tpu.memory_space<vmem>>) dst(%dma_wait3A_68 : memref<1000x64xf32, #tpu.memory_space<hbm>>)
      tpu.yield
    }) : () -> ()
    %dma_start3A_25 = arith.constant 2000 : i32
    %dma_start3A_26 = tpu.memref_slice %arg5[%dma_start3A_25] : memref<5000xi32, #tpu.memory_space<vmem>> -> memref<1000xi32, #tpu.memory_space<vmem>>
    %dma_start3A_27 = arith.constant 0 : i32
    %dma_start3A_28 = arith.constant 0 : i32
    %dma_start3A_29 = tpu.memref_slice %arg2[%dma_start3A_27, %dma_start3A_28] : memref<10000x64xf32, #tpu.memory_space<hbm>> -> memref<10000x64xf32, #tpu.memory_space<hbm>>
    tpu.enqueue_indirect_dma source(%dma_start3A_29 : memref<10000x64xf32, #tpu.memory_space<hbm>>) target(%arg6 : memref<1000x64xf32, #tpu.memory_space<vmem>>) offsets(%dma_start3A_26 : memref<1000xi32, #tpu.memory_space<vmem>>) semaphore(%arg7 : memref<!tpu.dma_semaphore, #tpu.memory_space<semaphore_mem>>)
    %dma_wait3A_30 = arith.constant 2000 : i32
    %dma_wait3A_31 = tpu.memref_slice %arg5[%dma_wait3A_30] : memref<5000xi32, #tpu.memory_space<vmem>> -> memref<1000xi32, #tpu.memory_space<vmem>>
    %dma_wait3A_32 = arith.constant 0 : i32
    %dma_wait3A_33 = arith.constant 0 : i32
    %dma_wait3A_34 = tpu.memref_slice %arg2[%dma_wait3A_32, %dma_wait3A_33] : memref<10000x64xf32, #tpu.memory_space<hbm>> -> memref<10000x64xf32, #tpu.memory_space<hbm>>
    tpu.wait_indirect_dma semaphore(%arg7 : memref<!tpu.dma_semaphore, #tpu.memory_space<semaphore_mem>>) src(%dma_wait3A_34 : memref<10000x64xf32, #tpu.memory_space<hbm>>) dst(%arg6 : memref<1000x64xf32, #tpu.memory_space<vmem>>)
    %add3A_35 = arith.constant 2000 : i32
    %add3A_36 = arith.addi %mul3A_2, %add3A_35 : i32
    "tpu.region"() ({
      %run_scoped3A = tpu.sem_alloc : memref<!tpu.dma_semaphore, #tpu.memory_space<semaphore_mem>>
      %dma_start3A_61 = arith.constant 0 : i32
      %dma_start3A_62 = tpu.memref_slice %arg4[%add3A_36, %dma_start3A_61] : memref<160000x64xf32, #tpu.memory_space<hbm>> -> memref<1000x64xf32, #tpu.memory_space<hbm>>
      %dma_start3A_63 = arith.constant 0 : i32
      %dma_start3A_64 = tpu.memref_slice %arg4[%add3A_36, %dma_start3A_63] : memref<160000x64xf32, #tpu.memory_space<hbm>> -> memref<1000x64xf32, #tpu.memory_space<hbm>>
      tpu.enqueue_dma source(%arg6 : memref<1000x64xf32, #tpu.memory_space<vmem>>) target(%dma_start3A_64 : memref<1000x64xf32, #tpu.memory_space<hbm>>) target_semaphore(%run_scoped3A : memref<!tpu.dma_semaphore, #tpu.memory_space<semaphore_mem>>)
      %dma_wait3A_65 = arith.constant 0 : i32
      %dma_wait3A_66 = tpu.memref_slice %arg4[%add3A_36, %dma_wait3A_65] : memref<160000x64xf32, #tpu.memory_space<hbm>> -> memref<1000x64xf32, #tpu.memory_space<hbm>>
      %dma_wait3A_67 = arith.constant 0 : i32
      %dma_wait3A_68 = tpu.memref_slice %arg4[%add3A_36, %dma_wait3A_67] : memref<160000x64xf32, #tpu.memory_space<hbm>> -> memref<1000x64xf32, #tpu.memory_space<hbm>>
      tpu.wait_dma2 semaphore(%run_scoped3A : memref<!tpu.dma_semaphore, #tpu.memory_space<semaphore_mem>>) src(%arg6 : memref<1000x64xf32, #tpu.memory_space<vmem>>) dst(%dma_wait3A_68 : memref<1000x64xf32, #tpu.memory_space<hbm>>)
      tpu.yield
    }) : () -> ()
    %dma_start3A_37 = arith.constant 3000 : i32
    %dma_start3A_38 = tpu.memref_slice %arg5[%dma_start3A_37] : memref<5000xi32, #tpu.memory_space<vmem>> -> memref<1000xi32, #tpu.memory_space<vmem>>
    %dma_start3A_39 = arith.constant 0 : i32
    %dma_start3A_40 = arith.constant 0 : i32
    %dma_start3A_41 = tpu.memref_slice %arg2[%dma_start3A_39, %dma_start3A_40] : memref<10000x64xf32, #tpu.memory_space<hbm>> -> memref<10000x64xf32, #tpu.memory_space<hbm>>
    tpu.enqueue_indirect_dma source(%dma_start3A_41 : memref<10000x64xf32, #tpu.memory_space<hbm>>) target(%arg6 : memref<1000x64xf32, #tpu.memory_space<vmem>>) offsets(%dma_start3A_38 : memref<1000xi32, #tpu.memory_space<vmem>>) semaphore(%arg7 : memref<!tpu.dma_semaphore, #tpu.memory_space<semaphore_mem>>)
    %dma_wait3A_42 = arith.constant 3000 : i32
    %dma_wait3A_43 = tpu.memref_slice %arg5[%dma_wait3A_42] : memref<5000xi32, #tpu.memory_space<vmem>> -> memref<1000xi32, #tpu.memory_space<vmem>>
    %dma_wait3A_44 = arith.constant 0 : i32
    %dma_wait3A_45 = arith.constant 0 : i32
    %dma_wait3A_46 = tpu.memref_slice %arg2[%dma_wait3A_44, %dma_wait3A_45] : memref<10000x64xf32, #tpu.memory_space<hbm>> -> memref<10000x64xf32, #tpu.memory_space<hbm>>
    tpu.wait_indirect_dma semaphore(%arg7 : memref<!tpu.dma_semaphore, #tpu.memory_space<semaphore_mem>>) src(%dma_wait3A_46 : memref<10000x64xf32, #tpu.memory_space<hbm>>) dst(%arg6 : memref<1000x64xf32, #tpu.memory_space<vmem>>)
    %add3A_47 = arith.constant 3000 : i32
    %add3A_48 = arith.addi %mul3A_2, %add3A_47 : i32
    "tpu.region"() ({
      %run_scoped3A = tpu.sem_alloc : memref<!tpu.dma_semaphore, #tpu.memory_space<semaphore_mem>>
      %dma_start3A_61 = arith.constant 0 : i32
      %dma_start3A_62 = tpu.memref_slice %arg4[%add3A_48, %dma_start3A_61] : memref<160000x64xf32, #tpu.memory_space<hbm>> -> memref<1000x64xf32, #tpu.memory_space<hbm>>
      %dma_start3A_63 = arith.constant 0 : i32
      %dma_start3A_64 = tpu.memref_slice %arg4[%add3A_48, %dma_start3A_63] : memref<160000x64xf32, #tpu.memory_space<hbm>> -> memref<1000x64xf32, #tpu.memory_space<hbm>>
      tpu.enqueue_dma source(%arg6 : memref<1000x64xf32, #tpu.memory_space<vmem>>) target(%dma_start3A_64 : memref<1000x64xf32, #tpu.memory_space<hbm>>) target_semaphore(%run_scoped3A : memref<!tpu.dma_semaphore, #tpu.memory_space<semaphore_mem>>)
      %dma_wait3A_65 = arith.constant 0 : i32
      %dma_wait3A_66 = tpu.memref_slice %arg4[%add3A_48, %dma_wait3A_65] : memref<160000x64xf32, #tpu.memory_space<hbm>> -> memref<1000x64xf32, #tpu.memory_space<hbm>>
      %dma_wait3A_67 = arith.constant 0 : i32
      %dma_wait3A_68 = tpu.memref_slice %arg4[%add3A_48, %dma_wait3A_67] : memref<160000x64xf32, #tpu.memory_space<hbm>> -> memref<1000x64xf32, #tpu.memory_space<hbm>>
      tpu.wait_dma2 semaphore(%run_scoped3A : memref<!tpu.dma_semaphore, #tpu.memory_space<semaphore_mem>>) src(%arg6 : memref<1000x64xf32, #tpu.memory_space<vmem>>) dst(%dma_wait3A_68 : memref<1000x64xf32, #tpu.memory_space<hbm>>)
      tpu.yield
    }) : () -> ()
    %dma_start3A_49 = arith.constant 4000 : i32
    %dma_start3A_50 = tpu.memref_slice %arg5[%dma_start3A_49] : memref<5000xi32, #tpu.memory_space<vmem>> -> memref<1000xi32, #tpu.memory_space<vmem>>
    %dma_start3A_51 = arith.constant 0 : i32
    %dma_start3A_52 = arith.constant 0 : i32
    %dma_start3A_53 = tpu.memref_slice %arg2[%dma_start3A_51, %dma_start3A_52] : memref<10000x64xf32, #tpu.memory_space<hbm>> -> memref<10000x64xf32, #tpu.memory_space<hbm>>
    tpu.enqueue_indirect_dma source(%dma_start3A_53 : memref<10000x64xf32, #tpu.memory_space<hbm>>) target(%arg6 : memref<1000x64xf32, #tpu.memory_space<vmem>>) offsets(%dma_start3A_50 : memref<1000xi32, #tpu.memory_space<vmem>>) semaphore(%arg7 : memref<!tpu.dma_semaphore, #tpu.memory_space<semaphore_mem>>)
    %dma_wait3A_54 = arith.constant 4000 : i32
    %dma_wait3A_55 = tpu.memref_slice %arg5[%dma_wait3A_54] : memref<5000xi32, #tpu.memory_space<vmem>> -> memref<1000xi32, #tpu.memory_space<vmem>>
    %dma_wait3A_56 = arith.constant 0 : i32
    %dma_wait3A_57 = arith.constant 0 : i32
    %dma_wait3A_58 = tpu.memref_slice %arg2[%dma_wait3A_56, %dma_wait3A_57] : memref<10000x64xf32, #tpu.memory_space<hbm>> -> memref<10000x64xf32, #tpu.memory_space<hbm>>
    tpu.wait_indirect_dma semaphore(%arg7 : memref<!tpu.dma_semaphore, #tpu.memory_space<semaphore_mem>>) src(%dma_wait3A_58 : memref<10000x64xf32, #tpu.memory_space<hbm>>) dst(%arg6 : memref<1000x64xf32, #tpu.memory_space<vmem>>)
    %add3A_59 = arith.constant 4000 : i32
    %add3A_60 = arith.addi %mul3A_2, %add3A_59 : i32
    "tpu.region"() ({
      %run_scoped3A = tpu.sem_alloc : memref<!tpu.dma_semaphore, #tpu.memory_space<semaphore_mem>>
      %dma_start3A_61 = arith.constant 0 : i32
      %dma_start3A_62 = tpu.memref_slice %arg4[%add3A_60, %dma_start3A_61] : memref<160000x64xf32, #tpu.memory_space<hbm>> -> memref<1000x64xf32, #tpu.memory_space<hbm>>
      %dma_start3A_63 = arith.constant 0 : i32
      %dma_start3A_64 = tpu.memref_slice %arg4[%add3A_60, %dma_start3A_63] : memref<160000x64xf32, #tpu.memory_space<hbm>> -> memref<1000x64xf32, #tpu.memory_space<hbm>>
      tpu.enqueue_dma source(%arg6 : memref<1000x64xf32, #tpu.memory_space<vmem>>) target(%dma_start3A_64 : memref<1000x64xf32, #tpu.memory_space<hbm>>) target_semaphore(%run_scoped3A : memref<!tpu.dma_semaphore, #tpu.memory_space<semaphore_mem>>)
      %dma_wait3A_65 = arith.constant 0 : i32
      %dma_wait3A_66 = tpu.memref_slice %arg4[%add3A_60, %dma_wait3A_65] : memref<160000x64xf32, #tpu.memory_space<hbm>> -> memref<1000x64xf32, #tpu.memory_space<hbm>>
      %dma_wait3A_67 = arith.constant 0 : i32
      %dma_wait3A_68 = tpu.memref_slice %arg4[%add3A_60, %dma_wait3A_67] : memref<160000x64xf32, #tpu.memory_space<hbm>> -> memref<1000x64xf32, #tpu.memory_space<hbm>>
      tpu.wait_dma2 semaphore(%run_scoped3A : memref<!tpu.dma_semaphore, #tpu.memory_space<semaphore_mem>>) src(%arg6 : memref<1000x64xf32, #tpu.memory_space<vmem>>) dst(%dma_wait3A_68 : memref<1000x64xf32, #tpu.memory_space<hbm>>)
      tpu.yield
    }) : () -> ()
    return
  }
}

module attributes {stable_mosaic.version = 14 : i64} {
  func.func @_pq_body(%arg0: memref<10000x128xf32, #tpu.memory_space<vmem>>, %arg1: memref<128x128xf32, #tpu.memory_space<vmem>>, %arg2: memref<10000x64xf32, #tpu.memory_space<vmem>>, %arg3: memref<10000x64xf32, #tpu.memory_space<vmem>>) attributes {dimension_semantics = [], scalar_prefetch = 0 : i64, scratch_operands = 0 : i64, tpu.core_type = #tpu.core_type<tc>} {
    %get3A = arith.constant 0 : index
    %get3A_0 = arith.constant 0 : index
    %get3A_1 = vector.load %arg0[%get3A, %get3A_0] : memref<10000x128xf32, #tpu.memory_space<vmem>>, vector<10000x128xf32>
    %get3A_2 = arith.constant 0 : index
    %get3A_3 = arith.constant 0 : index
    %get3A_4 = vector.load %arg1[%get3A_2, %get3A_3] : memref<128x128xf32, #tpu.memory_space<vmem>>, vector<128x128xf32>
    %dot_general3A = arith.constant dense<0.000000e+00> : vector<10000x128xf32>
    %dot_general3A_5 = tpu.matmul %get3A_1, %get3A_4, %dot_general3A {dimension_numbers = #tpu.dot_dimension_numbers<[1], [0], [0], [1], [0, 0, 1, 1], [], []>, transpose_lhs_hint = false} : vector<10000x128xf32>, vector<128x128xf32>, vector<10000x128xf32> -> vector<10000x128xf32>
    %slice3A = vector.extract_strided_slice %dot_general3A_5 {offsets = [0, 0], sizes = [10000, 64], strides = [1, 1]} : vector<10000x128xf32> to vector<10000x64xf32>
    %swap3A = arith.constant 0 : index
    %swap3A_6 = arith.constant 0 : index
    %swap3A_7 = vector.load %arg2[%swap3A, %swap3A_6] : memref<10000x64xf32, #tpu.memory_space<vmem>>, vector<10000x64xf32>
    tpu.vector_store %arg2[%swap3A, %swap3A_6], %slice3A {strides = array<i32>} : memref<10000x64xf32, #tpu.memory_space<vmem>>, vector<10000x64xf32>,
    %slice3A_8 = vector.extract_strided_slice %dot_general3A_5 {offsets = [0, 64], sizes = [10000, 64], strides = [1, 1]} : vector<10000x128xf32> to vector<10000x64xf32>
    %swap3A_9 = arith.constant 0 : index
    %swap3A_10 = arith.constant 0 : index
    %swap3A_11 = vector.load %arg3[%swap3A_9, %swap3A_10] : memref<10000x64xf32, #tpu.memory_space<vmem>>, vector<10000x64xf32>
    tpu.vector_store %arg3[%swap3A_9, %swap3A_10], %slice3A_8 {strides = array<i32>} : memref<10000x64xf32, #tpu.memory_space<vmem>>, vector<10000x64xf32>,
    return
  }
}

module attributes {stable_mosaic.version = 14 : i64} {
  func.func @_main_body(%arg0: i32, %arg1: memref<1280x128xbf16, #tpu.memory_space<vmem>>, %arg2: memref<1280x128xf32, #tpu.memory_space<vmem>>, %arg3: memref<1280x1xi32, #tpu.memory_space<vmem>>, %arg4: memref<1280x64xf32, #tpu.memory_space<vmem>>, %arg5: memref<80x64xf32, #tpu.memory_space<vmem>>, %arg6: memref<256x4096xbf16, #tpu.memory_space<vmem>>, %arg7: memref<128x512xbf16, #tpu.memory_space<vmem>>, %arg8: memref<8x512xf32, #tpu.memory_space<vmem>>, %arg9: memref<64x128xf32, #tpu.memory_space<vmem>>, %arg10: memref<80x64xf32, #tpu.memory_space<vmem>>) attributes {dimension_semantics = [#tpu.dimension_semantics<arbitrary>], iteration_bounds = array<i64: 125>, scalar_prefetch = 0 : i64, scratch_operands = 0 : i64, tpu.core_type = #tpu.core_type<tc>, window_params = [{transform_indices = @transform_0, window_bounds = array<i64: 1280, 128>}, {transform_indices = @transform_1, window_bounds = array<i64: 1280, 128>}, {transform_indices = @transform_2, window_bounds = array<i64: 1280, 1>}, {transform_indices = @transform_3, window_bounds = array<i64: 1280, 64>}, {transform_indices = @transform_4, window_bounds = array<i64: 80, 64>}, {pipeline_mode = #tpu.pipeline_mode<synchronous>, transform_indices = @transform_5, window_bounds = array<i64: 256, 4096>}, {pipeline_mode = #tpu.pipeline_mode<synchronous>, transform_indices = @transform_6, window_bounds = array<i64: 128, 512>}, {pipeline_mode = #tpu.pipeline_mode<synchronous>, transform_indices = @transform_7, window_bounds = array<i64: 8, 512>}, {pipeline_mode = #tpu.pipeline_mode<synchronous>, transform_indices = @transform_8, window_bounds = array<i64: 64, 128>}, {transform_indices = @transform_9, window_bounds = array<i64: 80, 64>}]} {
    %get3A = arith.constant 0 : index
    %get3A_0 = arith.constant 0 : index
    %get3A_1 = vector.load %arg8[%get3A, %get3A_0] : memref<8x512xf32, #tpu.memory_space<vmem>>, vector<1x512xf32>
    %convert_element_type3A = arith.truncf %get3A_1 : vector<1x512xf32> to vector<1x512xbf16>
    %get3A_2 = arith.constant 0 : index
    %get3A_3 = arith.constant 0 : index
    %get3A_4 = vector.load %arg3[%get3A_2, %get3A_3] : memref<1280x1xi32, #tpu.memory_space<vmem>>, vector<1280x1xi32>
    %get3A_5 = arith.constant 5 : index
    %get3A_6 = arith.constant 0 : index
    %get3A_7 = vector.load %arg8[%get3A_5, %get3A_6] : memref<8x512xf32, #tpu.memory_space<vmem>>, vector<1x128xf32>
    %get3A_8 = arith.constant 6 : index
    %get3A_9 = arith.constant 0 : index
    %get3A_10 = vector.load %arg8[%get3A_8, %get3A_9] : memref<8x512xf32, #tpu.memory_space<vmem>>, vector<1x128xf32>
    %iota3A = tpu.iota {dimensions = array<i32: 1>} : vector<1x128xi32>
    %jit3A = arith.constant 16 : i32
    %eq3A = arith.constant 0 : i32
    %eq3A_11 = arith.cmpi eq, %jit3A, %eq3A : i32
    %jit3A_12 = arith.constant 1 : i32
    %select_n3A = arith.select %eq3A_11, %jit3A_12, %jit3A : i32
    %rem3A = vector.broadcast %select_n3A : i32 to vector<1x128xi32>
    %rem3A_13 = arith.remsi %iota3A, %rem3A : vector<1x128xi32>
    %ne3A = arith.constant 0 : i32
    %ne3A_14 = vector.broadcast %ne3A : i32 to vector<1x128xi32>
    %ne3A_15 = arith.cmpi ne, %rem3A_13, %ne3A_14 : vector<1x128xi32>
    %lt3A = arith.constant 0 : i32
    %lt3A_16 = vector.broadcast %lt3A : i32 to vector<1x128xi32>
    %lt3A_17 = arith.cmpi slt, %rem3A_13, %lt3A_16 : vector<1x128xi32>
    %lt3A_18 = arith.constant 0 : i32
    %lt3A_19 = arith.cmpi slt, %select_n3A, %lt3A_18 : i32
    %ne3A_20 = vector.broadcast %lt3A_19 : i1 to vector<1x128xi1>
    %ne3A_21 = vector.broadcast %ne3A_20 : vector<1x128xi1> to vector<1x128xi1>
    %ne3A_22 = arith.xori %lt3A_17, %ne3A_21 : vector<1x128xi1>
    %and3A = arith.andi %ne3A_22, %ne3A_15 : vector<1x128xi1>
    %add3A = vector.broadcast %select_n3A : i32 to vector<1x128xi32>
    %add3A_23 = arith.addi %rem3A_13, %add3A : vector<1x128xi32>
    %select_n3A_24 = arith.select %and3A, %add3A_23, %rem3A_13 : vector<1x128xi1>, vector<1x128xi32>
    %lt3A_25 = arith.constant 15 : i32
    %lt3A_26 = vector.broadcast %lt3A_25 : i32 to vector<1x128xi32>
    %lt3A_27 = arith.cmpi slt, %select_n3A_24, %lt3A_26 : vector<1x128xi32>
    %get3A_28 = arith.constant 0 : index
    %get3A_29 = arith.constant 0 : index
    %get3A_30 = vector.load %arg2[%get3A_28, %get3A_29] : memref<1280x128xf32, #tpu.memory_space<vmem>>, vector<1280x128xf32>
    %mul3A = vector.broadcast %get3A_7 : vector<1x128xf32> to vector<1280x128xf32>
    %mul3A_31 = arith.mulf %get3A_30, %mul3A : vector<1280x128xf32>
    %add3A_32 = vector.broadcast %get3A_10 : vector<1x128xf32> to vector<1280x128xf32>
    %add3A_33 = arith.addf %mul3A_31, %add3A_32 : vector<1280x128xf32>
    %sin3A = math.sin %add3A_33 : vector<1280x128xf32>
    %broadcast_in_dim3A = vector.shape_cast %lt3A_27 : vector<1x128xi1> to vector<1x128xi1>
    %broadcast_in_dim3A_34 = vector.broadcast %broadcast_in_dim3A : vector<1x128xi1> to vector<1280x128xi1>
    %select_n3A_35 = arith.select %broadcast_in_dim3A_34, %sin3A, %add3A_33 : vector<1280x128xi1>, vector<1280x128xf32>
    %convert_element_type3A_36 = arith.truncf %select_n3A_35 : vector<1280x128xf32> to vector<1280x128xbf16>
    %get3A_37 = arith.constant 0 : index
    %get3A_38 = arith.constant 0 : index
    %get3A_39 = vector.load %arg1[%get3A_37, %get3A_38] : memref<1280x128xbf16, #tpu.memory_space<vmem>>, vector<1280x128xbf16>
    %concatenate3A = tpu.concatenate %get3A_39, %convert_element_type3A_36 in 1 : vector<1280x128xbf16>, vector<1280x128xbf16> -> vector<1280x256xbf16>
    %get3A_40 = arith.constant 0 : index
    %get3A_41 = arith.constant 0 : index
    %get3A_42 = vector.load %arg6[%get3A_40, %get3A_41] : memref<256x4096xbf16, #tpu.memory_space<vmem>>, vector<256x4096xbf16>
    %dot_general3A = arith.constant dense<0.000000e+00> : vector<1280x4096xf32>
    %dot_general3A_43 = tpu.matmul %concatenate3A, %get3A_42, %dot_general3A {dimension_numbers = #tpu.dot_dimension_numbers<[1], [0], [0], [1], [0, 0, 1, 1], [], []>, transpose_lhs_hint = false} : vector<1280x256xbf16>, vector<256x4096xbf16>, vector<1280x4096xf32> -> vector<1280x4096xf32>
    %get3A_44 = arith.constant 0 : index
    %get3A_45 = arith.constant 0 : index
    %get3A_46 = vector.load %arg7[%get3A_44, %get3A_45] : memref<128x512xbf16, #tpu.memory_space<vmem>>, vector<128x512xbf16>
    %broadcast_in_dim3A_47 = arith.constant 0.000000e+00 : f32
    %broadcast_in_dim3A_48 = vector.broadcast %broadcast_in_dim3A_47 : f32 to vector<1280x128xf32>
    %broadcast_in_dim3A_49 = arith.constant 0.000000e+00 : bf16
    %broadcast_in_dim3A_50 = vector.broadcast %broadcast_in_dim3A_49 : bf16 to vector<1280x128xbf16>
    %slice3A = vector.extract_strided_slice %dot_general3A_43 {offsets = [0, 0], sizes = [1280, 512], strides = [1, 1]} : vector<1280x4096xf32> to vector<1280x512xf32>
    %convert_element_type3A_51 = arith.truncf %slice3A : vector<1280x512xf32> to vector<1280x512xbf16>
    %add3A_52 = vector.broadcast %convert_element_type3A : vector<1x512xbf16> to vector<1280x512xbf16>
    %add3A_53 = arith.addf %convert_element_type3A_51, %add3A_52 : vector<1280x512xbf16>
    %slice3A_54 = vector.extract_strided_slice %add3A_53 {offsets = [0, 0], sizes = [1280, 128], strides = [1, 1]} : vector<1280x512xbf16> to vector<1280x128xbf16>
    %logistic3A = arith.negf %slice3A_54 : vector<1280x128xbf16>
    %logistic3A_55 = math.exp %logistic3A : vector<1280x128xbf16>
    %logistic3A_56 = arith.constant 1.000000e+00 : bf16
    %logistic3A_57 = vector.broadcast %logistic3A_56 : bf16 to vector<1280x128xbf16>
    %logistic3A_58 = arith.addf %logistic3A_57, %logistic3A_55 : vector<1280x128xbf16>
    %logistic3A_59 = arith.divf %logistic3A_57, %logistic3A_58 : vector<1280x128xbf16>
    %slice3A_60 = vector.extract_strided_slice %add3A_53 {offsets = [0, 128], sizes = [1280, 128], strides = [1, 1]} : vector<1280x512xbf16> to vector<1280x128xbf16>
    %logistic3A_61 = arith.negf %slice3A_60 : vector<1280x128xbf16>
    %logistic3A_62 = math.exp %logistic3A_61 : vector<1280x128xbf16>
    %logistic3A_63 = arith.constant 1.000000e+00 : bf16
    %logistic3A_64 = vector.broadcast %logistic3A_63 : bf16 to vector<1280x128xbf16>
    %logistic3A_65 = arith.addf %logistic3A_64, %logistic3A_62 : vector<1280x128xbf16>
    %logistic3A_66 = arith.divf %logistic3A_64, %logistic3A_65 : vector<1280x128xbf16>
    %slice3A_67 = vector.extract_strided_slice %add3A_53 {offsets = [0, 256], sizes = [1280, 128], strides = [1, 1]} : vector<1280x512xbf16> to vector<1280x128xbf16>
    %tanh3A = math.tanh %slice3A_67 : vector<1280x128xbf16>
    %slice3A_68 = vector.extract_strided_slice %add3A_53 {offsets = [0, 384], sizes = [1280, 128], strides = [1, 1]} : vector<1280x512xbf16> to vector<1280x128xbf16>
    %logistic3A_69 = arith.negf %slice3A_68 : vector<1280x128xbf16>
    %logistic3A_70 = math.exp %logistic3A_69 : vector<1280x128xbf16>
    %logistic3A_71 = arith.constant 1.000000e+00 : bf16
    %logistic3A_72 = vector.broadcast %logistic3A_71 : bf16 to vector<1280x128xbf16>
    %logistic3A_73 = arith.addf %logistic3A_72, %logistic3A_70 : vector<1280x128xbf16>
    %logistic3A_74 = arith.divf %logistic3A_72, %logistic3A_73 : vector<1280x128xbf16>
    %convert_element_type3A_75 = arith.extf %logistic3A_66 : vector<1280x128xbf16> to vector<1280x128xf32>
    %mul3A_76 = arith.mulf %convert_element_type3A_75, %broadcast_in_dim3A_48 : vector<1280x128xf32>
    %mul3A_77 = arith.mulf %logistic3A_59, %tanh3A : vector<1280x128xbf16>
    %convert_element_type3A_78 = arith.extf %mul3A_77 : vector<1280x128xbf16> to vector<1280x128xf32>
    %add3A_79 = arith.addf %mul3A_76, %convert_element_type3A_78 : vector<1280x128xf32>
    %tanh3A_80 = math.tanh %add3A_79 : vector<1280x128xf32>
    %convert_element_type3A_81 = arith.truncf %tanh3A_80 : vector<1280x128xf32> to vector<1280x128xbf16>
    %mul3A_82 = arith.mulf %logistic3A_74, %convert_element_type3A_81 : vector<1280x128xbf16>
    %eq3A_83 = arith.constant 1 : i32
    %eq3A_84 = vector.broadcast %eq3A_83 : i32 to vector<1280x1xi32>
    %eq3A_85 = arith.cmpi eq, %get3A_4, %eq3A_84 : vector<1280x1xi32>
    %broadcast_in_dim3A_86 = vector.shape_cast %eq3A_85 : vector<1280x1xi1> to vector<1280x1xi1>
    %broadcast_in_dim3A_87 = vector.broadcast %broadcast_in_dim3A_86 : vector<1280x1xi1> to vector<1280x128xi1>
    %select_n3A_88 = arith.select %broadcast_in_dim3A_87, %mul3A_82, %broadcast_in_dim3A_50 : vector<1280x128xi1>, vector<1280x128xbf16>
    %slice3A_89 = vector.extract_strided_slice %dot_general3A_43 {offsets = [0, 512], sizes = [1280, 512], strides = [1, 1]} : vector<1280x4096xf32> to vector<1280x512xf32>
    %dot_general3A_90 = arith.constant dense<0.000000e+00> : vector<1280x512xf32>
    %dot_general3A_91 = tpu.matmul %mul3A_82, %get3A_46, %dot_general3A_90 {dimension_numbers = #tpu.dot_dimension_numbers<[1], [0], [0], [1], [0, 0, 1, 1], [], []>, transpose_lhs_hint = false} : vector<1280x128xbf16>, vector<128x512xbf16>, vector<1280x512xf32> -> vector<1280x512xf32>
    %add3A_92 = arith.addf %slice3A_89, %dot_general3A_91 : vector<1280x512xf32>
    %convert_element_type3A_93 = arith.truncf %add3A_92 : vector<1280x512xf32> to vector<1280x512xbf16>
    %add3A_94 = vector.broadcast %convert_element_type3A : vector<1x512xbf16> to vector<1280x512xbf16>
    %add3A_95 = arith.addf %convert_element_type3A_93, %add3A_94 : vector<1280x512xbf16>
    %slice3A_96 = vector.extract_strided_slice %add3A_95 {offsets = [0, 0], sizes = [1280, 128], strides = [1, 1]} : vector<1280x512xbf16> to vector<1280x128xbf16>
    %logistic3A_97 = arith.negf %slice3A_96 : vector<1280x128xbf16>
    %logistic3A_98 = math.exp %logistic3A_97 : vector<1280x128xbf16>
    %logistic3A_99 = arith.constant 1.000000e+00 : bf16
    %logistic3A_100 = vector.broadcast %logistic3A_99 : bf16 to vector<1280x128xbf16>
    %logistic3A_101 = arith.addf %logistic3A_100, %logistic3A_98 : vector<1280x128xbf16>
    %logistic3A_102 = arith.divf %logistic3A_100, %logistic3A_101 : vector<1280x128xbf16>
    %slice3A_103 = vector.extract_strided_slice %add3A_95 {offsets = [0, 128], sizes = [1280, 128], strides = [1, 1]} : vector<1280x512xbf16> to vector<1280x128xbf16>
    %logistic3A_104 = arith.negf %slice3A_103 : vector<1280x128xbf16>
    %logistic3A_105 = math.exp %logistic3A_104 : vector<1280x128xbf16>
    %logistic3A_106 = arith.constant 1.000000e+00 : bf16
    %logistic3A_107 = vector.broadcast %logistic3A_106 : bf16 to vector<1280x128xbf16>
    %logistic3A_108 = arith.addf %logistic3A_107, %logistic3A_105 : vector<1280x128xbf16>
    %logistic3A_109 = arith.divf %logistic3A_107, %logistic3A_108 : vector<1280x128xbf16>
    %slice3A_110 = vector.extract_strided_slice %add3A_95 {offsets = [0, 256], sizes = [1280, 128], strides = [1, 1]} : vector<1280x512xbf16> to vector<1280x128xbf16>
    %tanh3A_111 = math.tanh %slice3A_110 : vector<1280x128xbf16>
    %slice3A_112 = vector.extract_strided_slice %add3A_95 {offsets = [0, 384], sizes = [1280, 128], strides = [1, 1]} : vector<1280x512xbf16> to vector<1280x128xbf16>
    %logistic3A_113 = arith.negf %slice3A_112 : vector<1280x128xbf16>
    %logistic3A_114 = math.exp %logistic3A_113 : vector<1280x128xbf16>
    %logistic3A_115 = arith.constant 1.000000e+00 : bf16
    %logistic3A_116 = vector.broadcast %logistic3A_115 : bf16 to vector<1280x128xbf16>
    %logistic3A_117 = arith.addf %logistic3A_116, %logistic3A_114 : vector<1280x128xbf16>
    %logistic3A_118 = arith.divf %logistic3A_116, %logistic3A_117 : vector<1280x128xbf16>
    %convert_element_type3A_119 = arith.extf %logistic3A_109 : vector<1280x128xbf16> to vector<1280x128xf32>
    %mul3A_120 = arith.mulf %convert_element_type3A_119, %add3A_79 : vector<1280x128xf32>
    %mul3A_121 = arith.mulf %logistic3A_102, %tanh3A_111 : vector<1280x128xbf16>
    %convert_element_type3A_122 = arith.extf %mul3A_121 : vector<1280x128xbf16> to vector<1280x128xf32>
    %add3A_123 = arith.addf %mul3A_120, %convert_element_type3A_122 : vector<1280x128xf32>
    %tanh3A_124 = math.tanh %add3A_123 : vector<1280x128xf32>
    %convert_element_type3A_125 = arith.truncf %tanh3A_124 : vector<1280x128xf32> to vector<1280x128xbf16>
    %mul3A_126 = arith.mulf %logistic3A_118, %convert_element_type3A_125 : vector<1280x128xbf16>
    %eq3A_127 = arith.constant 2 : i32
    %eq3A_128 = vector.broadcast %eq3A_127 : i32 to vector<1280x1xi32>
    %eq3A_129 = arith.cmpi eq, %get3A_4, %eq3A_128 : vector<1280x1xi32>
    %broadcast_in_dim3A_130 = vector.shape_cast %eq3A_129 : vector<1280x1xi1> to vector<1280x1xi1>
    %broadcast_in_dim3A_131 = vector.broadcast %broadcast_in_dim3A_130 : vector<1280x1xi1> to vector<1280x128xi1>
    %select_n3A_132 = arith.select %broadcast_in_dim3A_131, %mul3A_126, %select_n3A_88 : vector<1280x128xi1>, vector<1280x128xbf16>
    %slice3A_133 = vector.extract_strided_slice %dot_general3A_43 {offsets = [0, 1024], sizes = [1280, 512], strides = [1, 1]} : vector<1280x4096xf32> to vector<1280x512xf32>
    %dot_general3A_134 = arith.constant dense<0.000000e+00> : vector<1280x512xf32>
    %dot_general3A_135 = tpu.matmul %mul3A_126, %get3A_46, %dot_general3A_134 {dimension_numbers = #tpu.dot_dimension_numbers<[1], [0], [0], [1], [0, 0, 1, 1], [], []>, transpose_lhs_hint = false} : vector<1280x128xbf16>, vector<128x512xbf16>, vector<1280x512xf32> -> vector<1280x512xf32>
    %add3A_136 = arith.addf %slice3A_133, %dot_general3A_135 : vector<1280x512xf32>
    %convert_element_type3A_137 = arith.truncf %add3A_136 : vector<1280x512xf32> to vector<1280x512xbf16>
    %add3A_138 = vector.broadcast %convert_element_type3A : vector<1x512xbf16> to vector<1280x512xbf16>
    %add3A_139 = arith.addf %convert_element_type3A_137, %add3A_138 : vector<1280x512xbf16>
    %slice3A_140 = vector.extract_strided_slice %add3A_139 {offsets = [0, 0], sizes = [1280, 128], strides = [1, 1]} : vector<1280x512xbf16> to vector<1280x128xbf16>
    %logistic3A_141 = arith.negf %slice3A_140 : vector<1280x128xbf16>
    %logistic3A_142 = math.exp %logistic3A_141 : vector<1280x128xbf16>
    %logistic3A_143 = arith.constant 1.000000e+00 : bf16
    %logistic3A_144 = vector.broadcast %logistic3A_143 : bf16 to vector<1280x128xbf16>
    %logistic3A_145 = arith.addf %logistic3A_144, %logistic3A_142 : vector<1280x128xbf16>
    %logistic3A_146 = arith.divf %logistic3A_144, %logistic3A_145 : vector<1280x128xbf16>
    %slice3A_147 = vector.extract_strided_slice %add3A_139 {offsets = [0, 128], sizes = [1280, 128], strides = [1, 1]} : vector<1280x512xbf16> to vector<1280x128xbf16>
    %logistic3A_148 = arith.negf %slice3A_147 : vector<1280x128xbf16>
    %logistic3A_149 = math.exp %logistic3A_148 : vector<1280x128xbf16>
    %logistic3A_150 = arith.constant 1.000000e+00 : bf16
    %logistic3A_151 = vector.broadcast %logistic3A_150 : bf16 to vector<1280x128xbf16>
    %logistic3A_152 = arith.addf %logistic3A_151, %logistic3A_149 : vector<1280x128xbf16>
    %logistic3A_153 = arith.divf %logistic3A_151, %logistic3A_152 : vector<1280x128xbf16>
    %slice3A_154 = vector.extract_strided_slice %add3A_139 {offsets = [0, 256], sizes = [1280, 128], strides = [1, 1]} : vector<1280x512xbf16> to vector<1280x128xbf16>
    %tanh3A_155 = math.tanh %slice3A_154 : vector<1280x128xbf16>
    %slice3A_156 = vector.extract_strided_slice %add3A_139 {offsets = [0, 384], sizes = [1280, 128], strides = [1, 1]} : vector<1280x512xbf16> to vector<1280x128xbf16>
    %logistic3A_157 = arith.negf %slice3A_156 : vector<1280x128xbf16>
    %logistic3A_158 = math.exp %logistic3A_157 : vector<1280x128xbf16>
    %logistic3A_159 = arith.constant 1.000000e+00 : bf16
    %logistic3A_160 = vector.broadcast %logistic3A_159 : bf16 to vector<1280x128xbf16>
    %logistic3A_161 = arith.addf %logistic3A_160, %logistic3A_158 : vector<1280x128xbf16>
    %logistic3A_162 = arith.divf %logistic3A_160, %logistic3A_161 : vector<1280x128xbf16>
    %convert_element_type3A_163 = arith.extf %logistic3A_153 : vector<1280x128xbf16> to vector<1280x128xf32>
    %mul3A_164 = arith.mulf %convert_element_type3A_163, %add3A_123 : vector<1280x128xf32>
    %mul3A_165 = arith.mulf %logistic3A_146, %tanh3A_155 : vector<1280x128xbf16>
    %convert_element_type3A_166 = arith.extf %mul3A_165 : vector<1280x128xbf16> to vector<1280x128xf32>
    %add3A_167 = arith.addf %mul3A_164, %convert_element_type3A_166 : vector<1280x128xf32>
    %tanh3A_168 = math.tanh %add3A_167 : vector<1280x128xf32>
    %convert_element_type3A_169 = arith.truncf %tanh3A_168 : vector<1280x128xf32> to vector<1280x128xbf16>
    %mul3A_170 = arith.mulf %logistic3A_162, %convert_element_type3A_169 : vector<1280x128xbf16>
    %eq3A_171 = arith.constant 3 : i32
    %eq3A_172 = vector.broadcast %eq3A_171 : i32 to vector<1280x1xi32>
    %eq3A_173 = arith.cmpi eq, %get3A_4, %eq3A_172 : vector<1280x1xi32>
    %broadcast_in_dim3A_174 = vector.shape_cast %eq3A_173 : vector<1280x1xi1> to vector<1280x1xi1>
    %broadcast_in_dim3A_175 = vector.broadcast %broadcast_in_dim3A_174 : vector<1280x1xi1> to vector<1280x128xi1>
    %select_n3A_176 = arith.select %broadcast_in_dim3A_175, %mul3A_170, %select_n3A_132 : vector<1280x128xi1>, vector<1280x128xbf16>
    %slice3A_177 = vector.extract_strided_slice %dot_general3A_43 {offsets = [0, 1536], sizes = [1280, 512], strides = [1, 1]} : vector<1280x4096xf32> to vector<1280x512xf32>
    %dot_general3A_178 = arith.constant dense<0.000000e+00> : vector<1280x512xf32>
    %dot_general3A_179 = tpu.matmul %mul3A_170, %get3A_46, %dot_general3A_178 {dimension_numbers = #tpu.dot_dimension_numbers<[1], [0], [0], [1], [0, 0, 1, 1], [], []>, transpose_lhs_hint = false} : vector<1280x128xbf16>, vector<128x512xbf16>, vector<1280x512xf32> -> vector<1280x512xf32>
    %add3A_180 = arith.addf %slice3A_177, %dot_general3A_179 : vector<1280x512xf32>
    %convert_element_type3A_181 = arith.truncf %add3A_180 : vector<1280x512xf32> to vector<1280x512xbf16>
    %add3A_182 = vector.broadcast %convert_element_type3A : vector<1x512xbf16> to vector<1280x512xbf16>
    %add3A_183 = arith.addf %convert_element_type3A_181, %add3A_182 : vector<1280x512xbf16>
    %slice3A_184 = vector.extract_strided_slice %add3A_183 {offsets = [0, 0], sizes = [1280, 128], strides = [1, 1]} : vector<1280x512xbf16> to vector<1280x128xbf16>
    %logistic3A_185 = arith.negf %slice3A_184 : vector<1280x128xbf16>
    %logistic3A_186 = math.exp %logistic3A_185 : vector<1280x128xbf16>
    %logistic3A_187 = arith.constant 1.000000e+00 : bf16
    %logistic3A_188 = vector.broadcast %logistic3A_187 : bf16 to vector<1280x128xbf16>
    %logistic3A_189 = arith.addf %logistic3A_188, %logistic3A_186 : vector<1280x128xbf16>
    %logistic3A_190 = arith.divf %logistic3A_188, %logistic3A_189 : vector<1280x128xbf16>
    %slice3A_191 = vector.extract_strided_slice %add3A_183 {offsets = [0, 128], sizes = [1280, 128], strides = [1, 1]} : vector<1280x512xbf16> to vector<1280x128xbf16>
    %logistic3A_192 = arith.negf %slice3A_191 : vector<1280x128xbf16>
    %logistic3A_193 = math.exp %logistic3A_192 : vector<1280x128xbf16>
    %logistic3A_194 = arith.constant 1.000000e+00 : bf16
    %logistic3A_195 = vector.broadcast %logistic3A_194 : bf16 to vector<1280x128xbf16>
    %logistic3A_196 = arith.addf %logistic3A_195, %logistic3A_193 : vector<1280x128xbf16>
    %logistic3A_197 = arith.divf %logistic3A_195, %logistic3A_196 : vector<1280x128xbf16>
    %slice3A_198 = vector.extract_strided_slice %add3A_183 {offsets = [0, 256], sizes = [1280, 128], strides = [1, 1]} : vector<1280x512xbf16> to vector<1280x128xbf16>
    %tanh3A_199 = math.tanh %slice3A_198 : vector<1280x128xbf16>
    %slice3A_200 = vector.extract_strided_slice %add3A_183 {offsets = [0, 384], sizes = [1280, 128], strides = [1, 1]} : vector<1280x512xbf16> to vector<1280x128xbf16>
    %logistic3A_201 = arith.negf %slice3A_200 : vector<1280x128xbf16>
    %logistic3A_202 = math.exp %logistic3A_201 : vector<1280x128xbf16>
    %logistic3A_203 = arith.constant 1.000000e+00 : bf16
    %logistic3A_204 = vector.broadcast %logistic3A_203 : bf16 to vector<1280x128xbf16>
    %logistic3A_205 = arith.addf %logistic3A_204, %logistic3A_202 : vector<1280x128xbf16>
    %logistic3A_206 = arith.divf %logistic3A_204, %logistic3A_205 : vector<1280x128xbf16>
    %convert_element_type3A_207 = arith.extf %logistic3A_197 : vector<1280x128xbf16> to vector<1280x128xf32>
    %mul3A_208 = arith.mulf %convert_element_type3A_207, %add3A_167 : vector<1280x128xf32>
    %mul3A_209 = arith.mulf %logistic3A_190, %tanh3A_199 : vector<1280x128xbf16>
    %convert_element_type3A_210 = arith.extf %mul3A_209 : vector<1280x128xbf16> to vector<1280x128xf32>
    %add3A_211 = arith.addf %mul3A_208, %convert_element_type3A_210 : vector<1280x128xf32>
    %tanh3A_212 = math.tanh %add3A_211 : vector<1280x128xf32>
    %convert_element_type3A_213 = arith.truncf %tanh3A_212 : vector<1280x128xf32> to vector<1280x128xbf16>
    %mul3A_214 = arith.mulf %logistic3A_206, %convert_element_type3A_213 : vector<1280x128xbf16>
    %eq3A_215 = arith.constant 4 : i32
    %eq3A_216 = vector.broadcast %eq3A_215 : i32 to vector<1280x1xi32>
    %eq3A_217 = arith.cmpi eq, %get3A_4, %eq3A_216 : vector<1280x1xi32>
    %broadcast_in_dim3A_218 = vector.shape_cast %eq3A_217 : vector<1280x1xi1> to vector<1280x1xi1>
    %broadcast_in_dim3A_219 = vector.broadcast %broadcast_in_dim3A_218 : vector<1280x1xi1> to vector<1280x128xi1>
    %select_n3A_220 = arith.select %broadcast_in_dim3A_219, %mul3A_214, %select_n3A_176 : vector<1280x128xi1>, vector<1280x128xbf16>
    %slice3A_221 = vector.extract_strided_slice %dot_general3A_43 {offsets = [0, 2048], sizes = [1280, 512], strides = [1, 1]} : vector<1280x4096xf32> to vector<1280x512xf32>
    %dot_general3A_222 = arith.constant dense<0.000000e+00> : vector<1280x512xf32>
    %dot_general3A_223 = tpu.matmul %mul3A_214, %get3A_46, %dot_general3A_222 {dimension_numbers = #tpu.dot_dimension_numbers<[1], [0], [0], [1], [0, 0, 1, 1], [], []>, transpose_lhs_hint = false} : vector<1280x128xbf16>, vector<128x512xbf16>, vector<1280x512xf32> -> vector<1280x512xf32>
    %add3A_224 = arith.addf %slice3A_221, %dot_general3A_223 : vector<1280x512xf32>
    %convert_element_type3A_225 = arith.truncf %add3A_224 : vector<1280x512xf32> to vector<1280x512xbf16>
    %add3A_226 = vector.broadcast %convert_element_type3A : vector<1x512xbf16> to vector<1280x512xbf16>
    %add3A_227 = arith.addf %convert_element_type3A_225, %add3A_226 : vector<1280x512xbf16>
    %slice3A_228 = vector.extract_strided_slice %add3A_227 {offsets = [0, 0], sizes = [1280, 128], strides = [1, 1]} : vector<1280x512xbf16> to vector<1280x128xbf16>
    %logistic3A_229 = arith.negf %slice3A_228 : vector<1280x128xbf16>
    %logistic3A_230 = math.exp %logistic3A_229 : vector<1280x128xbf16>
    %logistic3A_231 = arith.constant 1.000000e+00 : bf16
    %logistic3A_232 = vector.broadcast %logistic3A_231 : bf16 to vector<1280x128xbf16>
    %logistic3A_233 = arith.addf %logistic3A_232, %logistic3A_230 : vector<1280x128xbf16>
    %logistic3A_234 = arith.divf %logistic3A_232, %logistic3A_233 : vector<1280x128xbf16>
    %slice3A_235 = vector.extract_strided_slice %add3A_227 {offsets = [0, 128], sizes = [1280, 128], strides = [1, 1]} : vector<1280x512xbf16> to vector<1280x128xbf16>
    %logistic3A_236 = arith.negf %slice3A_235 : vector<1280x128xbf16>
    %logistic3A_237 = math.exp %logistic3A_236 : vector<1280x128xbf16>
    %logistic3A_238 = arith.constant 1.000000e+00 : bf16
    %logistic3A_239 = vector.broadcast %logistic3A_238 : bf16 to vector<1280x128xbf16>
    %logistic3A_240 = arith.addf %logistic3A_239, %logistic3A_237 : vector<1280x128xbf16>
    %logistic3A_241 = arith.divf %logistic3A_239, %logistic3A_240 : vector<1280x128xbf16>
    %slice3A_242 = vector.extract_strided_slice %add3A_227 {offsets = [0, 256], sizes = [1280, 128], strides = [1, 1]} : vector<1280x512xbf16> to vector<1280x128xbf16>
    %tanh3A_243 = math.tanh %slice3A_242 : vector<1280x128xbf16>
    %slice3A_244 = vector.extract_strided_slice %add3A_227 {offsets = [0, 384], sizes = [1280, 128], strides = [1, 1]} : vector<1280x512xbf16> to vector<1280x128xbf16>
    %logistic3A_245 = arith.negf %slice3A_244 : vector<1280x128xbf16>
    %logistic3A_246 = math.exp %logistic3A_245 : vector<1280x128xbf16>
    %logistic3A_247 = arith.constant 1.000000e+00 : bf16
    %logistic3A_248 = vector.broadcast %logistic3A_247 : bf16 to vector<1280x128xbf16>
    %logistic3A_249 = arith.addf %logistic3A_248, %logistic3A_246 : vector<1280x128xbf16>
    %logistic3A_250 = arith.divf %logistic3A_248, %logistic3A_249 : vector<1280x128xbf16>
    %convert_element_type3A_251 = arith.extf %logistic3A_241 : vector<1280x128xbf16> to vector<1280x128xf32>
    %mul3A_252 = arith.mulf %convert_element_type3A_251, %add3A_211 : vector<1280x128xf32>
    %mul3A_253 = arith.mulf %logistic3A_234, %tanh3A_243 : vector<1280x128xbf16>
    %convert_element_type3A_254 = arith.extf %mul3A_253 : vector<1280x128xbf16> to vector<1280x128xf32>
    %add3A_255 = arith.addf %mul3A_252, %convert_element_type3A_254 : vector<1280x128xf32>
    %tanh3A_256 = math.tanh %add3A_255 : vector<1280x128xf32>
    %convert_element_type3A_257 = arith.truncf %tanh3A_256 : vector<1280x128xf32> to vector<1280x128xbf16>
    %mul3A_258 = arith.mulf %logistic3A_250, %convert_element_type3A_257 : vector<1280x128xbf16>
    %eq3A_259 = arith.constant 5 : i32
    %eq3A_260 = vector.broadcast %eq3A_259 : i32 to vector<1280x1xi32>
    %eq3A_261 = arith.cmpi eq, %get3A_4, %eq3A_260 : vector<1280x1xi32>
    %broadcast_in_dim3A_262 = vector.shape_cast %eq3A_261 : vector<1280x1xi1> to vector<1280x1xi1>
    %broadcast_in_dim3A_263 = vector.broadcast %broadcast_in_dim3A_262 : vector<1280x1xi1> to vector<1280x128xi1>
    %select_n3A_264 = arith.select %broadcast_in_dim3A_263, %mul3A_258, %select_n3A_220 : vector<1280x128xi1>, vector<1280x128xbf16>
    %slice3A_265 = vector.extract_strided_slice %dot_general3A_43 {offsets = [0, 2560], sizes = [1280, 512], strides = [1, 1]} : vector<1280x4096xf32> to vector<1280x512xf32>
    %dot_general3A_266 = arith.constant dense<0.000000e+00> : vector<1280x512xf32>
    %dot_general3A_267 = tpu.matmul %mul3A_258, %get3A_46, %dot_general3A_266 {dimension_numbers = #tpu.dot_dimension_numbers<[1], [0], [0], [1], [0, 0, 1, 1], [], []>, transpose_lhs_hint = false} : vector<1280x128xbf16>, vector<128x512xbf16>, vector<1280x512xf32> -> vector<1280x512xf32>
    %add3A_268 = arith.addf %slice3A_265, %dot_general3A_267 : vector<1280x512xf32>
    %convert_element_type3A_269 = arith.truncf %add3A_268 : vector<1280x512xf32> to vector<1280x512xbf16>
    %add3A_270 = vector.broadcast %convert_element_type3A : vector<1x512xbf16> to vector<1280x512xbf16>
    %add3A_271 = arith.addf %convert_element_type3A_269, %add3A_270 : vector<1280x512xbf16>
    %slice3A_272 = vector.extract_strided_slice %add3A_271 {offsets = [0, 0], sizes = [1280, 128], strides = [1, 1]} : vector<1280x512xbf16> to vector<1280x128xbf16>
    %logistic3A_273 = arith.negf %slice3A_272 : vector<1280x128xbf16>
    %logistic3A_274 = math.exp %logistic3A_273 : vector<1280x128xbf16>
    %logistic3A_275 = arith.constant 1.000000e+00 : bf16
    %logistic3A_276 = vector.broadcast %logistic3A_275 : bf16 to vector<1280x128xbf16>
    %logistic3A_277 = arith.addf %logistic3A_276, %logistic3A_274 : vector<1280x128xbf16>
    %logistic3A_278 = arith.divf %logistic3A_276, %logistic3A_277 : vector<1280x128xbf16>
    %slice3A_279 = vector.extract_strided_slice %add3A_271 {offsets = [0, 128], sizes = [1280, 128], strides = [1, 1]} : vector<1280x512xbf16> to vector<1280x128xbf16>
    %logistic3A_280 = arith.negf %slice3A_279 : vector<1280x128xbf16>
    %logistic3A_281 = math.exp %logistic3A_280 : vector<1280x128xbf16>
    %logistic3A_282 = arith.constant 1.000000e+00 : bf16
    %logistic3A_283 = vector.broadcast %logistic3A_282 : bf16 to vector<1280x128xbf16>
    %logistic3A_284 = arith.addf %logistic3A_283, %logistic3A_281 : vector<1280x128xbf16>
    %logistic3A_285 = arith.divf %logistic3A_283, %logistic3A_284 : vector<1280x128xbf16>
    %slice3A_286 = vector.extract_strided_slice %add3A_271 {offsets = [0, 256], sizes = [1280, 128], strides = [1, 1]} : vector<1280x512xbf16> to vector<1280x128xbf16>
    %tanh3A_287 = math.tanh %slice3A_286 : vector<1280x128xbf16>
    %slice3A_288 = vector.extract_strided_slice %add3A_271 {offsets = [0, 384], sizes = [1280, 128], strides = [1, 1]} : vector<1280x512xbf16> to vector<1280x128xbf16>
    %logistic3A_289 = arith.negf %slice3A_288 : vector<1280x128xbf16>
    %logistic3A_290 = math.exp %logistic3A_289 : vector<1280x128xbf16>
    %logistic3A_291 = arith.constant 1.000000e+00 : bf16
    %logistic3A_292 = vector.broadcast %logistic3A_291 : bf16 to vector<1280x128xbf16>
    %logistic3A_293 = arith.addf %logistic3A_292, %logistic3A_290 : vector<1280x128xbf16>
    %logistic3A_294 = arith.divf %logistic3A_292, %logistic3A_293 : vector<1280x128xbf16>
    %convert_element_type3A_295 = arith.extf %logistic3A_285 : vector<1280x128xbf16> to vector<1280x128xf32>
    %mul3A_296 = arith.mulf %convert_element_type3A_295, %add3A_255 : vector<1280x128xf32>
    %mul3A_297 = arith.mulf %logistic3A_278, %tanh3A_287 : vector<1280x128xbf16>
    %convert_element_type3A_298 = arith.extf %mul3A_297 : vector<1280x128xbf16> to vector<1280x128xf32>
    %add3A_299 = arith.addf %mul3A_296, %convert_element_type3A_298 : vector<1280x128xf32>
    %tanh3A_300 = math.tanh %add3A_299 : vector<1280x128xf32>
    %convert_element_type3A_301 = arith.truncf %tanh3A_300 : vector<1280x128xf32> to vector<1280x128xbf16>
    %mul3A_302 = arith.mulf %logistic3A_294, %convert_element_type3A_301 : vector<1280x128xbf16>
    %eq3A_303 = arith.constant 6 : i32
    %eq3A_304 = vector.broadcast %eq3A_303 : i32 to vector<1280x1xi32>
    %eq3A_305 = arith.cmpi eq, %get3A_4, %eq3A_304 : vector<1280x1xi32>
    %broadcast_in_dim3A_306 = vector.shape_cast %eq3A_305 : vector<1280x1xi1> to vector<1280x1xi1>
    %broadcast_in_dim3A_307 = vector.broadcast %broadcast_in_dim3A_306 : vector<1280x1xi1> to vector<1280x128xi1>
    %select_n3A_308 = arith.select %broadcast_in_dim3A_307, %mul3A_302, %select_n3A_264 : vector<1280x128xi1>, vector<1280x128xbf16>
    %slice3A_309 = vector.extract_strided_slice %dot_general3A_43 {offsets = [0, 3072], sizes = [1280, 512], strides = [1, 1]} : vector<1280x4096xf32> to vector<1280x512xf32>
    %dot_general3A_310 = arith.constant dense<0.000000e+00> : vector<1280x512xf32>
    %dot_general3A_311 = tpu.matmul %mul3A_302, %get3A_46, %dot_general3A_310 {dimension_numbers = #tpu.dot_dimension_numbers<[1], [0], [0], [1], [0, 0, 1, 1], [], []>, transpose_lhs_hint = false} : vector<1280x128xbf16>, vector<128x512xbf16>, vector<1280x512xf32> -> vector<1280x512xf32>
    %add3A_312 = arith.addf %slice3A_309, %dot_general3A_311 : vector<1280x512xf32>
    %convert_element_type3A_313 = arith.truncf %add3A_312 : vector<1280x512xf32> to vector<1280x512xbf16>
    %add3A_314 = vector.broadcast %convert_element_type3A : vector<1x512xbf16> to vector<1280x512xbf16>
    %add3A_315 = arith.addf %convert_element_type3A_313, %add3A_314 : vector<1280x512xbf16>
    %slice3A_316 = vector.extract_strided_slice %add3A_315 {offsets = [0, 0], sizes = [1280, 128], strides = [1, 1]} : vector<1280x512xbf16> to vector<1280x128xbf16>
    %logistic3A_317 = arith.negf %slice3A_316 : vector<1280x128xbf16>
    %logistic3A_318 = math.exp %logistic3A_317 : vector<1280x128xbf16>
    %logistic3A_319 = arith.constant 1.000000e+00 : bf16
    %logistic3A_320 = vector.broadcast %logistic3A_319 : bf16 to vector<1280x128xbf16>
    %logistic3A_321 = arith.addf %logistic3A_320, %logistic3A_318 : vector<1280x128xbf16>
    %logistic3A_322 = arith.divf %logistic3A_320, %logistic3A_321 : vector<1280x128xbf16>
    %slice3A_323 = vector.extract_strided_slice %add3A_315 {offsets = [0, 128], sizes = [1280, 128], strides = [1, 1]} : vector<1280x512xbf16> to vector<1280x128xbf16>
    %logistic3A_324 = arith.negf %slice3A_323 : vector<1280x128xbf16>
    %logistic3A_325 = math.exp %logistic3A_324 : vector<1280x128xbf16>
    %logistic3A_326 = arith.constant 1.000000e+00 : bf16
    %logistic3A_327 = vector.broadcast %logistic3A_326 : bf16 to vector<1280x128xbf16>
    %logistic3A_328 = arith.addf %logistic3A_327, %logistic3A_325 : vector<1280x128xbf16>
    %logistic3A_329 = arith.divf %logistic3A_327, %logistic3A_328 : vector<1280x128xbf16>
    %slice3A_330 = vector.extract_strided_slice %add3A_315 {offsets = [0, 256], sizes = [1280, 128], strides = [1, 1]} : vector<1280x512xbf16> to vector<1280x128xbf16>
    %tanh3A_331 = math.tanh %slice3A_330 : vector<1280x128xbf16>
    %slice3A_332 = vector.extract_strided_slice %add3A_315 {offsets = [0, 384], sizes = [1280, 128], strides = [1, 1]} : vector<1280x512xbf16> to vector<1280x128xbf16>
    %logistic3A_333 = arith.negf %slice3A_332 : vector<1280x128xbf16>
    %logistic3A_334 = math.exp %logistic3A_333 : vector<1280x128xbf16>
    %logistic3A_335 = arith.constant 1.000000e+00 : bf16
    %logistic3A_336 = vector.broadcast %logistic3A_335 : bf16 to vector<1280x128xbf16>
    %logistic3A_337 = arith.addf %logistic3A_336, %logistic3A_334 : vector<1280x128xbf16>
    %logistic3A_338 = arith.divf %logistic3A_336, %logistic3A_337 : vector<1280x128xbf16>
    %convert_element_type3A_339 = arith.extf %logistic3A_329 : vector<1280x128xbf16> to vector<1280x128xf32>
    %mul3A_340 = arith.mulf %convert_element_type3A_339, %add3A_299 : vector<1280x128xf32>
    %mul3A_341 = arith.mulf %logistic3A_322, %tanh3A_331 : vector<1280x128xbf16>
    %convert_element_type3A_342 = arith.extf %mul3A_341 : vector<1280x128xbf16> to vector<1280x128xf32>
    %add3A_343 = arith.addf %mul3A_340, %convert_element_type3A_342 : vector<1280x128xf32>
    %tanh3A_344 = math.tanh %add3A_343 : vector<1280x128xf32>
    %convert_element_type3A_345 = arith.truncf %tanh3A_344 : vector<1280x128xf32> to vector<1280x128xbf16>
    %mul3A_346 = arith.mulf %logistic3A_338, %convert_element_type3A_345 : vector<1280x128xbf16>
    %eq3A_347 = arith.constant 7 : i32
    %eq3A_348 = vector.broadcast %eq3A_347 : i32 to vector<1280x1xi32>
    %eq3A_349 = arith.cmpi eq, %get3A_4, %eq3A_348 : vector<1280x1xi32>
    %broadcast_in_dim3A_350 = vector.shape_cast %eq3A_349 : vector<1280x1xi1> to vector<1280x1xi1>
    %broadcast_in_dim3A_351 = vector.broadcast %broadcast_in_dim3A_350 : vector<1280x1xi1> to vector<1280x128xi1>
    %select_n3A_352 = arith.select %broadcast_in_dim3A_351, %mul3A_346, %select_n3A_308 : vector<1280x128xi1>, vector<1280x128xbf16>
    %slice3A_353 = vector.extract_strided_slice %dot_general3A_43 {offsets = [0, 3584], sizes = [1280, 512], strides = [1, 1]} : vector<1280x4096xf32> to vector<1280x512xf32>
    %dot_general3A_354 = arith.constant dense<0.000000e+00> : vector<1280x512xf32>
    %dot_general3A_355 = tpu.matmul %mul3A_346, %get3A_46, %dot_general3A_354 {dimension_numbers = #tpu.dot_dimension_numbers<[1], [0], [0], [1], [0, 0, 1, 1], [], []>, transpose_lhs_hint = false} : vector<1280x128xbf16>, vector<128x512xbf16>, vector<1280x512xf32> -> vector<1280x512xf32>
    %add3A_356 = arith.addf %slice3A_353, %dot_general3A_355 : vector<1280x512xf32>
    %convert_element_type3A_357 = arith.truncf %add3A_356 : vector<1280x512xf32> to vector<1280x512xbf16>
    %add3A_358 = vector.broadcast %convert_element_type3A : vector<1x512xbf16> to vector<1280x512xbf16>
    %add3A_359 = arith.addf %convert_element_type3A_357, %add3A_358 : vector<1280x512xbf16>
    %slice3A_360 = vector.extract_strided_slice %add3A_359 {offsets = [0, 0], sizes = [1280, 128], strides = [1, 1]} : vector<1280x512xbf16> to vector<1280x128xbf16>
    %logistic3A_361 = arith.negf %slice3A_360 : vector<1280x128xbf16>
    %logistic3A_362 = math.exp %logistic3A_361 : vector<1280x128xbf16>
    %logistic3A_363 = arith.constant 1.000000e+00 : bf16
    %logistic3A_364 = vector.broadcast %logistic3A_363 : bf16 to vector<1280x128xbf16>
    %logistic3A_365 = arith.addf %logistic3A_364, %logistic3A_362 : vector<1280x128xbf16>
    %logistic3A_366 = arith.divf %logistic3A_364, %logistic3A_365 : vector<1280x128xbf16>
    %slice3A_367 = vector.extract_strided_slice %add3A_359 {offsets = [0, 128], sizes = [1280, 128], strides = [1, 1]} : vector<1280x512xbf16> to vector<1280x128xbf16>
    %logistic3A_368 = arith.negf %slice3A_367 : vector<1280x128xbf16>
    %logistic3A_369 = math.exp %logistic3A_368 : vector<1280x128xbf16>
    %logistic3A_370 = arith.constant 1.000000e+00 : bf16
    %logistic3A_371 = vector.broadcast %logistic3A_370 : bf16 to vector<1280x128xbf16>
    %logistic3A_372 = arith.addf %logistic3A_371, %logistic3A_369 : vector<1280x128xbf16>
    %logistic3A_373 = arith.divf %logistic3A_371, %logistic3A_372 : vector<1280x128xbf16>
    %slice3A_374 = vector.extract_strided_slice %add3A_359 {offsets = [0, 256], sizes = [1280, 128], strides = [1, 1]} : vector<1280x512xbf16> to vector<1280x128xbf16>
    %tanh3A_375 = math.tanh %slice3A_374 : vector<1280x128xbf16>
    %slice3A_376 = vector.extract_strided_slice %add3A_359 {offsets = [0, 384], sizes = [1280, 128], strides = [1, 1]} : vector<1280x512xbf16> to vector<1280x128xbf16>
    %logistic3A_377 = arith.negf %slice3A_376 : vector<1280x128xbf16>
    %logistic3A_378 = math.exp %logistic3A_377 : vector<1280x128xbf16>
    %logistic3A_379 = arith.constant 1.000000e+00 : bf16
    %logistic3A_380 = vector.broadcast %logistic3A_379 : bf16 to vector<1280x128xbf16>
    %logistic3A_381 = arith.addf %logistic3A_380, %logistic3A_378 : vector<1280x128xbf16>
    %logistic3A_382 = arith.divf %logistic3A_380, %logistic3A_381 : vector<1280x128xbf16>
    %convert_element_type3A_383 = arith.extf %logistic3A_373 : vector<1280x128xbf16> to vector<1280x128xf32>
    %mul3A_384 = arith.mulf %convert_element_type3A_383, %add3A_343 : vector<1280x128xf32>
    %mul3A_385 = arith.mulf %logistic3A_366, %tanh3A_375 : vector<1280x128xbf16>
    %convert_element_type3A_386 = arith.extf %mul3A_385 : vector<1280x128xbf16> to vector<1280x128xf32>
    %add3A_387 = arith.addf %mul3A_384, %convert_element_type3A_386 : vector<1280x128xf32>
    %tanh3A_388 = math.tanh %add3A_387 : vector<1280x128xf32>
    %convert_element_type3A_389 = arith.truncf %tanh3A_388 : vector<1280x128xf32> to vector<1280x128xbf16>
    %mul3A_390 = arith.mulf %logistic3A_382, %convert_element_type3A_389 : vector<1280x128xbf16>
    %eq3A_391 = arith.constant 8 : i32
    %eq3A_392 = vector.broadcast %eq3A_391 : i32 to vector<1280x1xi32>
    %eq3A_393 = arith.cmpi eq, %get3A_4, %eq3A_392 : vector<1280x1xi32>
    %broadcast_in_dim3A_394 = vector.shape_cast %eq3A_393 : vector<1280x1xi1> to vector<1280x1xi1>
    %broadcast_in_dim3A_395 = vector.broadcast %broadcast_in_dim3A_394 : vector<1280x1xi1> to vector<1280x128xi1>
    %select_n3A_396 = arith.select %broadcast_in_dim3A_395, %mul3A_390, %select_n3A_352 : vector<1280x128xi1>, vector<1280x128xbf16>
    %slice3A_397 = vector.extract_strided_slice %select_n3A_396 {offsets = [0, 0], sizes = [1280, 64], strides = [1, 1]} : vector<1280x128xbf16> to vector<1280x64xbf16>
    %slice3A_398 = vector.extract_strided_slice %select_n3A_396 {offsets = [0, 64], sizes = [1280, 64], strides = [1, 1]} : vector<1280x128xbf16> to vector<1280x64xbf16>
    %get3A_399 = arith.constant 2 : index
    %get3A_400 = arith.constant 0 : index
    %get3A_401 = vector.load %arg8[%get3A_399, %get3A_400] : memref<8x512xf32, #tpu.memory_space<vmem>>, vector<1x64xf32>
    %convert_element_type3A_402 = arith.extf %slice3A_398 : vector<1280x64xbf16> to vector<1280x64xf32>
    %mul3A_403 = vector.broadcast %get3A_401 : vector<1x64xf32> to vector<1280x64xf32>
    %mul3A_404 = arith.mulf %convert_element_type3A_402, %mul3A_403 : vector<1280x64xf32>
    %reduce_sum3A = arith.constant dense<0.000000e+00> : vector<1280xf32>
    %reduce_sum3A_405 = vector.multi_reduction <add>, %mul3A_404, %reduce_sum3A [1] : vector<1280x64xf32> to vector<1280xf32>
    %broadcast_in_dim3A_406 = vector.shape_cast %reduce_sum3A_405 : vector<1280xf32> to vector<1280x1xf32>
    %ge3A = arith.constant 0.000000e+00 : f32
    %ge3A_407 = vector.broadcast %ge3A : f32 to vector<1280x1xf32>
    %ge3A_408 = arith.cmpf oge, %broadcast_in_dim3A_406, %ge3A_407 : vector<1280x1xf32>
    %mul3A_409 = arith.constant 0.00999999977 : f32
    %mul3A_410 = vector.broadcast %mul3A_409 : f32 to vector<1280x1xf32>
    %mul3A_411 = arith.mulf %mul3A_410, %broadcast_in_dim3A_406 : vector<1280x1xf32>
    %select_n3A_412 = arith.select %ge3A_408, %broadcast_in_dim3A_406, %mul3A_411 : vector<1280x1xi1>, vector<1280x1xf32>
    %get3A_413 = arith.constant 3 : index
    %get3A_414 = arith.constant 0 : index
    %get3A_415 = vector.load %arg8[%get3A_413, %get3A_414] : memref<8x512xf32, #tpu.memory_space<vmem>>, vector<1x64xf32>
    %get3A_416 = arith.constant 0 : index
    %get3A_417 = arith.constant 0 : index
    %get3A_418 = vector.load %arg4[%get3A_416, %get3A_417] : memref<1280x64xf32, #tpu.memory_space<vmem>>, vector<1280x64xf32>
    %get3A_419 = arith.constant 0 : index
    %get3A_420 = arith.constant 0 : index
    %get3A_421 = vector.load %arg9[%get3A_419, %get3A_420] : memref<64x128xf32, #tpu.memory_space<vmem>>, vector<64x64xf32>
    %dot_general3A_422 = arith.constant dense<0.000000e+00> : vector<1280x64xf32>
    %dot_general3A_423 = tpu.matmul %slice3A_397, %get3A_421, %dot_general3A_422 {dimension_numbers = #tpu.dot_dimension_numbers<[1], [0], [0], [1], [0, 0, 1, 1], [], []>, transpose_lhs_hint = false} : vector<1280x64xbf16>, vector<64x64xf32>, vector<1280x64xf32> -> vector<1280x64xf32>
    %add3A_424 = arith.addf %get3A_418, %dot_general3A_423 : vector<1280x64xf32>
    %add3A_425 = vector.broadcast %get3A_415 : vector<1x64xf32> to vector<1280x64xf32>
    %add3A_426 = arith.addf %add3A_424, %add3A_425 : vector<1280x64xf32>
    %max3A = arith.constant 0.000000e+00 : f32
    %max3A_427 = vector.broadcast %max3A : f32 to vector<1280x64xf32>
    %max3A_428 = arith.maximumf %add3A_426, %max3A_427 : vector<1280x64xf32>
    %iota3A_429 = tpu.iota {dimensions = array<i32: 0>} : vector<1280x16xi32>
    %iota3A_430 = tpu.iota {dimensions = array<i32: 1>} : vector<1280x16xi32>
    %jit3A_431 = arith.constant 16 : i32
    %eq3A_432 = arith.constant 0 : i32
    %eq3A_433 = arith.cmpi eq, %jit3A_431, %eq3A_432 : i32
    %jit3A_434 = arith.constant 1 : i32
    %select_n3A_435 = arith.select %eq3A_433, %jit3A_434, %jit3A_431 : i32
    %rem3A_436 = vector.broadcast %select_n3A_435 : i32 to vector<1280x16xi32>
    %rem3A_437 = arith.remsi %iota3A_429, %rem3A_436 : vector<1280x16xi32>
    %ne3A_438 = arith.constant 0 : i32
    %ne3A_439 = vector.broadcast %ne3A_438 : i32 to vector<1280x16xi32>
    %ne3A_440 = arith.cmpi ne, %rem3A_437, %ne3A_439 : vector<1280x16xi32>
    %lt3A_441 = arith.constant 0 : i32
    %lt3A_442 = vector.broadcast %lt3A_441 : i32 to vector<1280x16xi32>
    %lt3A_443 = arith.cmpi slt, %rem3A_437, %lt3A_442 : vector<1280x16xi32>
    %lt3A_444 = arith.constant 0 : i32
    %lt3A_445 = arith.cmpi slt, %select_n3A_435, %lt3A_444 : i32
    %ne3A_446 = vector.broadcast %lt3A_445 : i1 to vector<1280x16xi1>
    %ne3A_447 = vector.broadcast %ne3A_446 : vector<1280x16xi1> to vector<1280x16xi1>
    %ne3A_448 = arith.xori %lt3A_443, %ne3A_447 : vector<1280x16xi1>
    %and3A_449 = arith.andi %ne3A_448, %ne3A_440 : vector<1280x16xi1>
    %add3A_450 = vector.broadcast %select_n3A_435 : i32 to vector<1280x16xi32>
    %add3A_451 = arith.addi %rem3A_437, %add3A_450 : vector<1280x16xi32>
    %select_n3A_452 = arith.select %and3A_449, %add3A_451, %rem3A_437 : vector<1280x16xi1>, vector<1280x16xi32>
    %eq3A_453 = arith.cmpi eq, %select_n3A_452, %iota3A_430 : vector<1280x16xi32>
    %jit3A_454 = arith.constant 0.000000e+00 : f32
    %broadcast_in_dim3A_455 = vector.shape_cast %select_n3A_412 : vector<1280x1xf32> to vector<1280x1xf32>
    %broadcast_in_dim3A_456 = vector.broadcast %broadcast_in_dim3A_455 : vector<1280x1xf32> to vector<1280x16xf32>
    %broadcast_in_dim3A_457 = vector.broadcast %jit3A_454 : f32 to vector<1280x16xf32>
    %select_n3A_458 = arith.select %eq3A_453, %broadcast_in_dim3A_456, %broadcast_in_dim3A_457 : vector<1280x16xi1>, vector<1280x16xf32>
    %iota3A_459 = tpu.iota {dimensions = array<i32: 0>} : vector<80x1280xi32>
    %iota3A_460 = tpu.iota {dimensions = array<i32: 1>} : vector<80x1280xi32>
    %jit3A_461 = arith.constant 16 : i32
    %div3A = vector.broadcast %jit3A_461 : i32 to vector<80x1280xi32>
    %div3A_462 = arith.divsi %iota3A_460, %div3A : vector<80x1280xi32>
    %sign3A = arith.constant 0 : i32
    %sign3A_463 = vector.broadcast %sign3A : i32 to vector<80x1280xi32>
    %sign3A_464 = arith.cmpi sgt, %iota3A_460, %sign3A_463 : vector<80x1280xi32>
    %sign3A_465 = arith.extui %sign3A_464 : vector<80x1280xi1> to vector<80x1280xi32>
    %sign3A_466 = arith.constant 0 : i32
    %sign3A_467 = vector.broadcast %sign3A_466 : i32 to vector<80x1280xi32>
    %sign3A_468 = arith.cmpi slt, %iota3A_460, %sign3A_467 : vector<80x1280xi32>
    %sign3A_469 = arith.extui %sign3A_468 : vector<80x1280xi1> to vector<80x1280xi32>
    %sign3A_470 = arith.subi %sign3A_465, %sign3A_469 : vector<80x1280xi32>
    %sign3A_471 = arith.constant 0 : i32
    %sign3A_472 = arith.cmpi sgt, %jit3A_461, %sign3A_471 : i32
    %sign3A_473 = arith.extui %sign3A_472 : i1 to i32
    %sign3A_474 = arith.constant 0 : i32
    %sign3A_475 = arith.cmpi slt, %jit3A_461, %sign3A_474 : i32
    %sign3A_476 = arith.extui %sign3A_475 : i1 to i32
    %sign3A_477 = arith.subi %sign3A_473, %sign3A_476 : i32
    %ne3A_478 = vector.broadcast %sign3A_477 : i32 to vector<80x1280xi32>
    %ne3A_479 = arith.cmpi ne, %sign3A_470, %ne3A_478 : vector<80x1280xi32>
    %rem3A_480 = vector.broadcast %jit3A_461 : i32 to vector<80x1280xi32>
    %rem3A_481 = arith.remsi %iota3A_460, %rem3A_480 : vector<80x1280xi32>
    %ne3A_482 = arith.constant 0 : i32
    %ne3A_483 = vector.broadcast %ne3A_482 : i32 to vector<80x1280xi32>
    %ne3A_484 = arith.cmpi ne, %rem3A_481, %ne3A_483 : vector<80x1280xi32>
    %and3A_485 = arith.andi %ne3A_479, %ne3A_484 : vector<80x1280xi1>
    %sub3A = arith.constant 1 : i32
    %sub3A_486 = vector.broadcast %sub3A : i32 to vector<80x1280xi32>
    %sub3A_487 = arith.subi %div3A_462, %sub3A_486 : vector<80x1280xi32>
    %select_n3A_488 = arith.select %and3A_485, %sub3A_487, %div3A_462 : vector<80x1280xi1>, vector<80x1280xi32>
    %eq3A_489 = arith.cmpi eq, %select_n3A_488, %iota3A_459 : vector<80x1280xi32>
    %convert_element_type3A_490 = arith.extui %eq3A_489 : vector<80x1280xi1> to vector<80x1280xi32>
    %convert_element_type3A_491 = arith.sitofp %convert_element_type3A_490 : vector<80x1280xi32> to vector<80x1280xf32>
    %dot_general3A_492 = arith.constant dense<0.000000e+00> : vector<80x16xf32>
    %dot_general3A_493 = tpu.matmul %convert_element_type3A_491, %select_n3A_458, %dot_general3A_492 {dimension_numbers = #tpu.dot_dimension_numbers<[1], [0], [0], [1], [0, 0, 1, 1], [], []>, transpose_lhs_hint = false} : vector<80x1280xf32>, vector<1280x16xf32>, vector<80x16xf32> -> vector<80x16xf32>
    %broadcast_in_dim3A_494 = arith.constant 0.000000e+00 : f32
    %broadcast_in_dim3A_495 = vector.broadcast %broadcast_in_dim3A_494 : f32 to vector<80x16xf32>
    %iota3A_496 = tpu.iota {dimensions = array<i32: 1>} : vector<80x16xi32>
    %slice3A_497 = vector.extract_strided_slice %dot_general3A_493 {offsets = [0, 0], sizes = [80, 1], strides = [1, 1]} : vector<80x16xf32> to vector<80x1xf32>
    %sub3A_498 = vector.broadcast %slice3A_497 : vector<80x1xf32> to vector<80x16xf32>
    %sub3A_499 = arith.subf %dot_general3A_493, %sub3A_498 : vector<80x16xf32>
    %max3A_500 = arith.constant 0.000000e+00 : f32
    %max3A_501 = vector.broadcast %max3A_500 : f32 to vector<80x16xf32>
    %max3A_502 = arith.maximumf %sub3A_499, %max3A_501 : vector<80x16xf32>
    %reduce_sum3A_503 = arith.constant dense<0.000000e+00> : vector<80xf32>
    %reduce_sum3A_504 = vector.multi_reduction <add>, %max3A_502, %reduce_sum3A_503 [1] : vector<80x16xf32> to vector<80xf32>
    %broadcast_in_dim3A_505 = vector.shape_cast %reduce_sum3A_504 : vector<80xf32> to vector<80x1xf32>
    %eq3A_506 = arith.constant 0 : i32
    %eq3A_507 = vector.broadcast %eq3A_506 : i32 to vector<80x16xi32>
    %eq3A_508 = arith.cmpi eq, %iota3A_496, %eq3A_507 : vector<80x16xi32>
    %broadcast_in_dim3A_509 = vector.shape_cast %broadcast_in_dim3A_505 : vector<80x1xf32> to vector<80x1xf32>
    %broadcast_in_dim3A_510 = vector.broadcast %broadcast_in_dim3A_509 : vector<80x1xf32> to vector<80x16xf32>
    %select_n3A_511 = arith.select %eq3A_508, %broadcast_in_dim3A_510, %broadcast_in_dim3A_495 : vector<80x16xi1>, vector<80x16xf32>
    %slice3A_512 = vector.extract_strided_slice %dot_general3A_493 {offsets = [0, 1], sizes = [80, 1], strides = [1, 1]} : vector<80x16xf32> to vector<80x1xf32>
    %sub3A_513 = vector.broadcast %slice3A_512 : vector<80x1xf32> to vector<80x16xf32>
    %sub3A_514 = arith.subf %dot_general3A_493, %sub3A_513 : vector<80x16xf32>
    %max3A_515 = arith.constant 0.000000e+00 : f32
    %max3A_516 = vector.broadcast %max3A_515 : f32 to vector<80x16xf32>
    %max3A_517 = arith.maximumf %sub3A_514, %max3A_516 : vector<80x16xf32>
    %reduce_sum3A_518 = arith.constant dense<0.000000e+00> : vector<80xf32>
    %reduce_sum3A_519 = vector.multi_reduction <add>, %max3A_517, %reduce_sum3A_518 [1] : vector<80x16xf32> to vector<80xf32>
    %broadcast_in_dim3A_520 = vector.shape_cast %reduce_sum3A_519 : vector<80xf32> to vector<80x1xf32>
    %eq3A_521 = arith.constant 1 : i32
    %eq3A_522 = vector.broadcast %eq3A_521 : i32 to vector<80x16xi32>
    %eq3A_523 = arith.cmpi eq, %iota3A_496, %eq3A_522 : vector<80x16xi32>
    %broadcast_in_dim3A_524 = vector.shape_cast %broadcast_in_dim3A_520 : vector<80x1xf32> to vector<80x1xf32>
    %broadcast_in_dim3A_525 = vector.broadcast %broadcast_in_dim3A_524 : vector<80x1xf32> to vector<80x16xf32>
    %select_n3A_526 = arith.select %eq3A_523, %broadcast_in_dim3A_525, %select_n3A_511 : vector<80x16xi1>, vector<80x16xf32>
    %slice3A_527 = vector.extract_strided_slice %dot_general3A_493 {offsets = [0, 2], sizes = [80, 1], strides = [1, 1]} : vector<80x16xf32> to vector<80x1xf32>
    %sub3A_528 = vector.broadcast %slice3A_527 : vector<80x1xf32> to vector<80x16xf32>
    %sub3A_529 = arith.subf %dot_general3A_493, %sub3A_528 : vector<80x16xf32>
    %max3A_530 = arith.constant 0.000000e+00 : f32
    %max3A_531 = vector.broadcast %max3A_530 : f32 to vector<80x16xf32>
    %max3A_532 = arith.maximumf %sub3A_529, %max3A_531 : vector<80x16xf32>
    %reduce_sum3A_533 = arith.constant dense<0.000000e+00> : vector<80xf32>
    %reduce_sum3A_534 = vector.multi_reduction <add>, %max3A_532, %reduce_sum3A_533 [1] : vector<80x16xf32> to vector<80xf32>
    %broadcast_in_dim3A_535 = vector.shape_cast %reduce_sum3A_534 : vector<80xf32> to vector<80x1xf32>
    %eq3A_536 = arith.constant 2 : i32
    %eq3A_537 = vector.broadcast %eq3A_536 : i32 to vector<80x16xi32>
    %eq3A_538 = arith.cmpi eq, %iota3A_496, %eq3A_537 : vector<80x16xi32>
    %broadcast_in_dim3A_539 = vector.shape_cast %broadcast_in_dim3A_535 : vector<80x1xf32> to vector<80x1xf32>
    %broadcast_in_dim3A_540 = vector.broadcast %broadcast_in_dim3A_539 : vector<80x1xf32> to vector<80x16xf32>
    %select_n3A_541 = arith.select %eq3A_538, %broadcast_in_dim3A_540, %select_n3A_526 : vector<80x16xi1>, vector<80x16xf32>
    %slice3A_542 = vector.extract_strided_slice %dot_general3A_493 {offsets = [0, 3], sizes = [80, 1], strides = [1, 1]} : vector<80x16xf32> to vector<80x1xf32>
    %sub3A_543 = vector.broadcast %slice3A_542 : vector<80x1xf32> to vector<80x16xf32>
    %sub3A_544 = arith.subf %dot_general3A_493, %sub3A_543 : vector<80x16xf32>
    %max3A_545 = arith.constant 0.000000e+00 : f32
    %max3A_546 = vector.broadcast %max3A_545 : f32 to vector<80x16xf32>
    %max3A_547 = arith.maximumf %sub3A_544, %max3A_546 : vector<80x16xf32>
    %reduce_sum3A_548 = arith.constant dense<0.000000e+00> : vector<80xf32>
    %reduce_sum3A_549 = vector.multi_reduction <add>, %max3A_547, %reduce_sum3A_548 [1] : vector<80x16xf32> to vector<80xf32>
    %broadcast_in_dim3A_550 = vector.shape_cast %reduce_sum3A_549 : vector<80xf32> to vector<80x1xf32>
    %eq3A_551 = arith.constant 3 : i32
    %eq3A_552 = vector.broadcast %eq3A_551 : i32 to vector<80x16xi32>
    %eq3A_553 = arith.cmpi eq, %iota3A_496, %eq3A_552 : vector<80x16xi32>
    %broadcast_in_dim3A_554 = vector.shape_cast %broadcast_in_dim3A_550 : vector<80x1xf32> to vector<80x1xf32>
    %broadcast_in_dim3A_555 = vector.broadcast %broadcast_in_dim3A_554 : vector<80x1xf32> to vector<80x16xf32>
    %select_n3A_556 = arith.select %eq3A_553, %broadcast_in_dim3A_555, %select_n3A_541 : vector<80x16xi1>, vector<80x16xf32>
    %slice3A_557 = vector.extract_strided_slice %dot_general3A_493 {offsets = [0, 4], sizes = [80, 1], strides = [1, 1]} : vector<80x16xf32> to vector<80x1xf32>
    %sub3A_558 = vector.broadcast %slice3A_557 : vector<80x1xf32> to vector<80x16xf32>
    %sub3A_559 = arith.subf %dot_general3A_493, %sub3A_558 : vector<80x16xf32>
    %max3A_560 = arith.constant 0.000000e+00 : f32
    %max3A_561 = vector.broadcast %max3A_560 : f32 to vector<80x16xf32>
    %max3A_562 = arith.maximumf %sub3A_559, %max3A_561 : vector<80x16xf32>
    %reduce_sum3A_563 = arith.constant dense<0.000000e+00> : vector<80xf32>
    %reduce_sum3A_564 = vector.multi_reduction <add>, %max3A_562, %reduce_sum3A_563 [1] : vector<80x16xf32> to vector<80xf32>
    %broadcast_in_dim3A_565 = vector.shape_cast %reduce_sum3A_564 : vector<80xf32> to vector<80x1xf32>
    %eq3A_566 = arith.constant 4 : i32
    %eq3A_567 = vector.broadcast %eq3A_566 : i32 to vector<80x16xi32>
    %eq3A_568 = arith.cmpi eq, %iota3A_496, %eq3A_567 : vector<80x16xi32>
    %broadcast_in_dim3A_569 = vector.shape_cast %broadcast_in_dim3A_565 : vector<80x1xf32> to vector<80x1xf32>
    %broadcast_in_dim3A_570 = vector.broadcast %broadcast_in_dim3A_569 : vector<80x1xf32> to vector<80x16xf32>
    %select_n3A_571 = arith.select %eq3A_568, %broadcast_in_dim3A_570, %select_n3A_556 : vector<80x16xi1>, vector<80x16xf32>
    %slice3A_572 = vector.extract_strided_slice %dot_general3A_493 {offsets = [0, 5], sizes = [80, 1], strides = [1, 1]} : vector<80x16xf32> to vector<80x1xf32>
    %sub3A_573 = vector.broadcast %slice3A_572 : vector<80x1xf32> to vector<80x16xf32>
    %sub3A_574 = arith.subf %dot_general3A_493, %sub3A_573 : vector<80x16xf32>
    %max3A_575 = arith.constant 0.000000e+00 : f32
    %max3A_576 = vector.broadcast %max3A_575 : f32 to vector<80x16xf32>
    %max3A_577 = arith.maximumf %sub3A_574, %max3A_576 : vector<80x16xf32>
    %reduce_sum3A_578 = arith.constant dense<0.000000e+00> : vector<80xf32>
    %reduce_sum3A_579 = vector.multi_reduction <add>, %max3A_577, %reduce_sum3A_578 [1] : vector<80x16xf32> to vector<80xf32>
    %broadcast_in_dim3A_580 = vector.shape_cast %reduce_sum3A_579 : vector<80xf32> to vector<80x1xf32>
    %eq3A_581 = arith.constant 5 : i32
    %eq3A_582 = vector.broadcast %eq3A_581 : i32 to vector<80x16xi32>
    %eq3A_583 = arith.cmpi eq, %iota3A_496, %eq3A_582 : vector<80x16xi32>
    %broadcast_in_dim3A_584 = vector.shape_cast %broadcast_in_dim3A_580 : vector<80x1xf32> to vector<80x1xf32>
    %broadcast_in_dim3A_585 = vector.broadcast %broadcast_in_dim3A_584 : vector<80x1xf32> to vector<80x16xf32>
    %select_n3A_586 = arith.select %eq3A_583, %broadcast_in_dim3A_585, %select_n3A_571 : vector<80x16xi1>, vector<80x16xf32>
    %slice3A_587 = vector.extract_strided_slice %dot_general3A_493 {offsets = [0, 6], sizes = [80, 1], strides = [1, 1]} : vector<80x16xf32> to vector<80x1xf32>
    %sub3A_588 = vector.broadcast %slice3A_587 : vector<80x1xf32> to vector<80x16xf32>
    %sub3A_589 = arith.subf %dot_general3A_493, %sub3A_588 : vector<80x16xf32>
    %max3A_590 = arith.constant 0.000000e+00 : f32
    %max3A_591 = vector.broadcast %max3A_590 : f32 to vector<80x16xf32>
    %max3A_592 = arith.maximumf %sub3A_589, %max3A_591 : vector<80x16xf32>
    %reduce_sum3A_593 = arith.constant dense<0.000000e+00> : vector<80xf32>
    %reduce_sum3A_594 = vector.multi_reduction <add>, %max3A_592, %reduce_sum3A_593 [1] : vector<80x16xf32> to vector<80xf32>
    %broadcast_in_dim3A_595 = vector.shape_cast %reduce_sum3A_594 : vector<80xf32> to vector<80x1xf32>
    %eq3A_596 = arith.constant 6 : i32
    %eq3A_597 = vector.broadcast %eq3A_596 : i32 to vector<80x16xi32>
    %eq3A_598 = arith.cmpi eq, %iota3A_496, %eq3A_597 : vector<80x16xi32>
    %broadcast_in_dim3A_599 = vector.shape_cast %broadcast_in_dim3A_595 : vector<80x1xf32> to vector<80x1xf32>
    %broadcast_in_dim3A_600 = vector.broadcast %broadcast_in_dim3A_599 : vector<80x1xf32> to vector<80x16xf32>
    %select_n3A_601 = arith.select %eq3A_598, %broadcast_in_dim3A_600, %select_n3A_586 : vector<80x16xi1>, vector<80x16xf32>
    %slice3A_602 = vector.extract_strided_slice %dot_general3A_493 {offsets = [0, 7], sizes = [80, 1], strides = [1, 1]} : vector<80x16xf32> to vector<80x1xf32>
    %sub3A_603 = vector.broadcast %slice3A_602 : vector<80x1xf32> to vector<80x16xf32>
    %sub3A_604 = arith.subf %dot_general3A_493, %sub3A_603 : vector<80x16xf32>
    %max3A_605 = arith.constant 0.000000e+00 : f32
    %max3A_606 = vector.broadcast %max3A_605 : f32 to vector<80x16xf32>
    %max3A_607 = arith.maximumf %sub3A_604, %max3A_606 : vector<80x16xf32>
    %reduce_sum3A_608 = arith.constant dense<0.000000e+00> : vector<80xf32>
    %reduce_sum3A_609 = vector.multi_reduction <add>, %max3A_607, %reduce_sum3A_608 [1] : vector<80x16xf32> to vector<80xf32>
    %broadcast_in_dim3A_610 = vector.shape_cast %reduce_sum3A_609 : vector<80xf32> to vector<80x1xf32>
    %eq3A_611 = arith.constant 7 : i32
    %eq3A_612 = vector.broadcast %eq3A_611 : i32 to vector<80x16xi32>
    %eq3A_613 = arith.cmpi eq, %iota3A_496, %eq3A_612 : vector<80x16xi32>
    %broadcast_in_dim3A_614 = vector.shape_cast %broadcast_in_dim3A_610 : vector<80x1xf32> to vector<80x1xf32>
    %broadcast_in_dim3A_615 = vector.broadcast %broadcast_in_dim3A_614 : vector<80x1xf32> to vector<80x16xf32>
    %select_n3A_616 = arith.select %eq3A_613, %broadcast_in_dim3A_615, %select_n3A_601 : vector<80x16xi1>, vector<80x16xf32>
    %slice3A_617 = vector.extract_strided_slice %dot_general3A_493 {offsets = [0, 8], sizes = [80, 1], strides = [1, 1]} : vector<80x16xf32> to vector<80x1xf32>
    %sub3A_618 = vector.broadcast %slice3A_617 : vector<80x1xf32> to vector<80x16xf32>
    %sub3A_619 = arith.subf %dot_general3A_493, %sub3A_618 : vector<80x16xf32>
    %max3A_620 = arith.constant 0.000000e+00 : f32
    %max3A_621 = vector.broadcast %max3A_620 : f32 to vector<80x16xf32>
    %max3A_622 = arith.maximumf %sub3A_619, %max3A_621 : vector<80x16xf32>
    %reduce_sum3A_623 = arith.constant dense<0.000000e+00> : vector<80xf32>
    %reduce_sum3A_624 = vector.multi_reduction <add>, %max3A_622, %reduce_sum3A_623 [1] : vector<80x16xf32> to vector<80xf32>
    %broadcast_in_dim3A_625 = vector.shape_cast %reduce_sum3A_624 : vector<80xf32> to vector<80x1xf32>
    %eq3A_626 = arith.constant 8 : i32
    %eq3A_627 = vector.broadcast %eq3A_626 : i32 to vector<80x16xi32>
    %eq3A_628 = arith.cmpi eq, %iota3A_496, %eq3A_627 : vector<80x16xi32>
    %broadcast_in_dim3A_629 = vector.shape_cast %broadcast_in_dim3A_625 : vector<80x1xf32> to vector<80x1xf32>
    %broadcast_in_dim3A_630 = vector.broadcast %broadcast_in_dim3A_629 : vector<80x1xf32> to vector<80x16xf32>
    %select_n3A_631 = arith.select %eq3A_628, %broadcast_in_dim3A_630, %select_n3A_616 : vector<80x16xi1>, vector<80x16xf32>
    %slice3A_632 = vector.extract_strided_slice %dot_general3A_493 {offsets = [0, 9], sizes = [80, 1], strides = [1, 1]} : vector<80x16xf32> to vector<80x1xf32>
    %sub3A_633 = vector.broadcast %slice3A_632 : vector<80x1xf32> to vector<80x16xf32>
    %sub3A_634 = arith.subf %dot_general3A_493, %sub3A_633 : vector<80x16xf32>
    %max3A_635 = arith.constant 0.000000e+00 : f32
    %max3A_636 = vector.broadcast %max3A_635 : f32 to vector<80x16xf32>
    %max3A_637 = arith.maximumf %sub3A_634, %max3A_636 : vector<80x16xf32>
    %reduce_sum3A_638 = arith.constant dense<0.000000e+00> : vector<80xf32>
    %reduce_sum3A_639 = vector.multi_reduction <add>, %max3A_637, %reduce_sum3A_638 [1] : vector<80x16xf32> to vector<80xf32>
    %broadcast_in_dim3A_640 = vector.shape_cast %reduce_sum3A_639 : vector<80xf32> to vector<80x1xf32>
    %eq3A_641 = arith.constant 9 : i32
    %eq3A_642 = vector.broadcast %eq3A_641 : i32 to vector<80x16xi32>
    %eq3A_643 = arith.cmpi eq, %iota3A_496, %eq3A_642 : vector<80x16xi32>
    %broadcast_in_dim3A_644 = vector.shape_cast %broadcast_in_dim3A_640 : vector<80x1xf32> to vector<80x1xf32>
    %broadcast_in_dim3A_645 = vector.broadcast %broadcast_in_dim3A_644 : vector<80x1xf32> to vector<80x16xf32>
    %select_n3A_646 = arith.select %eq3A_643, %broadcast_in_dim3A_645, %select_n3A_631 : vector<80x16xi1>, vector<80x16xf32>
    %slice3A_647 = vector.extract_strided_slice %dot_general3A_493 {offsets = [0, 10], sizes = [80, 1], strides = [1, 1]} : vector<80x16xf32> to vector<80x1xf32>
    %sub3A_648 = vector.broadcast %slice3A_647 : vector<80x1xf32> to vector<80x16xf32>
    %sub3A_649 = arith.subf %dot_general3A_493, %sub3A_648 : vector<80x16xf32>
    %max3A_650 = arith.constant 0.000000e+00 : f32
    %max3A_651 = vector.broadcast %max3A_650 : f32 to vector<80x16xf32>
    %max3A_652 = arith.maximumf %sub3A_649, %max3A_651 : vector<80x16xf32>
    %reduce_sum3A_653 = arith.constant dense<0.000000e+00> : vector<80xf32>
    %reduce_sum3A_654 = vector.multi_reduction <add>, %max3A_652, %reduce_sum3A_653 [1] : vector<80x16xf32> to vector<80xf32>
    %broadcast_in_dim3A_655 = vector.shape_cast %reduce_sum3A_654 : vector<80xf32> to vector<80x1xf32>
    %eq3A_656 = arith.constant 10 : i32
    %eq3A_657 = vector.broadcast %eq3A_656 : i32 to vector<80x16xi32>
    %eq3A_658 = arith.cmpi eq, %iota3A_496, %eq3A_657 : vector<80x16xi32>
    %broadcast_in_dim3A_659 = vector.shape_cast %broadcast_in_dim3A_655 : vector<80x1xf32> to vector<80x1xf32>
    %broadcast_in_dim3A_660 = vector.broadcast %broadcast_in_dim3A_659 : vector<80x1xf32> to vector<80x16xf32>
    %select_n3A_661 = arith.select %eq3A_658, %broadcast_in_dim3A_660, %select_n3A_646 : vector<80x16xi1>, vector<80x16xf32>
    %slice3A_662 = vector.extract_strided_slice %dot_general3A_493 {offsets = [0, 11], sizes = [80, 1], strides = [1, 1]} : vector<80x16xf32> to vector<80x1xf32>
    %sub3A_663 = vector.broadcast %slice3A_662 : vector<80x1xf32> to vector<80x16xf32>
    %sub3A_664 = arith.subf %dot_general3A_493, %sub3A_663 : vector<80x16xf32>
    %max3A_665 = arith.constant 0.000000e+00 : f32
    %max3A_666 = vector.broadcast %max3A_665 : f32 to vector<80x16xf32>
    %max3A_667 = arith.maximumf %sub3A_664, %max3A_666 : vector<80x16xf32>
    %reduce_sum3A_668 = arith.constant dense<0.000000e+00> : vector<80xf32>
    %reduce_sum3A_669 = vector.multi_reduction <add>, %max3A_667, %reduce_sum3A_668 [1] : vector<80x16xf32> to vector<80xf32>
    %broadcast_in_dim3A_670 = vector.shape_cast %reduce_sum3A_669 : vector<80xf32> to vector<80x1xf32>
    %eq3A_671 = arith.constant 11 : i32
    %eq3A_672 = vector.broadcast %eq3A_671 : i32 to vector<80x16xi32>
    %eq3A_673 = arith.cmpi eq, %iota3A_496, %eq3A_672 : vector<80x16xi32>
    %broadcast_in_dim3A_674 = vector.shape_cast %broadcast_in_dim3A_670 : vector<80x1xf32> to vector<80x1xf32>
    %broadcast_in_dim3A_675 = vector.broadcast %broadcast_in_dim3A_674 : vector<80x1xf32> to vector<80x16xf32>
    %select_n3A_676 = arith.select %eq3A_673, %broadcast_in_dim3A_675, %select_n3A_661 : vector<80x16xi1>, vector<80x16xf32>
    %slice3A_677 = vector.extract_strided_slice %dot_general3A_493 {offsets = [0, 12], sizes = [80, 1], strides = [1, 1]} : vector<80x16xf32> to vector<80x1xf32>
    %sub3A_678 = vector.broadcast %slice3A_677 : vector<80x1xf32> to vector<80x16xf32>
    %sub3A_679 = arith.subf %dot_general3A_493, %sub3A_678 : vector<80x16xf32>
    %max3A_680 = arith.constant 0.000000e+00 : f32
    %max3A_681 = vector.broadcast %max3A_680 : f32 to vector<80x16xf32>
    %max3A_682 = arith.maximumf %sub3A_679, %max3A_681 : vector<80x16xf32>
    %reduce_sum3A_683 = arith.constant dense<0.000000e+00> : vector<80xf32>
    %reduce_sum3A_684 = vector.multi_reduction <add>, %max3A_682, %reduce_sum3A_683 [1] : vector<80x16xf32> to vector<80xf32>
    %broadcast_in_dim3A_685 = vector.shape_cast %reduce_sum3A_684 : vector<80xf32> to vector<80x1xf32>
    %eq3A_686 = arith.constant 12 : i32
    %eq3A_687 = vector.broadcast %eq3A_686 : i32 to vector<80x16xi32>
    %eq3A_688 = arith.cmpi eq, %iota3A_496, %eq3A_687 : vector<80x16xi32>
    %broadcast_in_dim3A_689 = vector.shape_cast %broadcast_in_dim3A_685 : vector<80x1xf32> to vector<80x1xf32>
    %broadcast_in_dim3A_690 = vector.broadcast %broadcast_in_dim3A_689 : vector<80x1xf32> to vector<80x16xf32>
    %select_n3A_691 = arith.select %eq3A_688, %broadcast_in_dim3A_690, %select_n3A_676 : vector<80x16xi1>, vector<80x16xf32>
    %slice3A_692 = vector.extract_strided_slice %dot_general3A_493 {offsets = [0, 13], sizes = [80, 1], strides = [1, 1]} : vector<80x16xf32> to vector<80x1xf32>
    %sub3A_693 = vector.broadcast %slice3A_692 : vector<80x1xf32> to vector<80x16xf32>
    %sub3A_694 = arith.subf %dot_general3A_493, %sub3A_693 : vector<80x16xf32>
    %max3A_695 = arith.constant 0.000000e+00 : f32
    %max3A_696 = vector.broadcast %max3A_695 : f32 to vector<80x16xf32>
    %max3A_697 = arith.maximumf %sub3A_694, %max3A_696 : vector<80x16xf32>
    %reduce_sum3A_698 = arith.constant dense<0.000000e+00> : vector<80xf32>
    %reduce_sum3A_699 = vector.multi_reduction <add>, %max3A_697, %reduce_sum3A_698 [1] : vector<80x16xf32> to vector<80xf32>
    %broadcast_in_dim3A_700 = vector.shape_cast %reduce_sum3A_699 : vector<80xf32> to vector<80x1xf32>
    %eq3A_701 = arith.constant 13 : i32
    %eq3A_702 = vector.broadcast %eq3A_701 : i32 to vector<80x16xi32>
    %eq3A_703 = arith.cmpi eq, %iota3A_496, %eq3A_702 : vector<80x16xi32>
    %broadcast_in_dim3A_704 = vector.shape_cast %broadcast_in_dim3A_700 : vector<80x1xf32> to vector<80x1xf32>
    %broadcast_in_dim3A_705 = vector.broadcast %broadcast_in_dim3A_704 : vector<80x1xf32> to vector<80x16xf32>
    %select_n3A_706 = arith.select %eq3A_703, %broadcast_in_dim3A_705, %select_n3A_691 : vector<80x16xi1>, vector<80x16xf32>
    %slice3A_707 = vector.extract_strided_slice %dot_general3A_493 {offsets = [0, 14], sizes = [80, 1], strides = [1, 1]} : vector<80x16xf32> to vector<80x1xf32>
    %sub3A_708 = vector.broadcast %slice3A_707 : vector<80x1xf32> to vector<80x16xf32>
    %sub3A_709 = arith.subf %dot_general3A_493, %sub3A_708 : vector<80x16xf32>
    %max3A_710 = arith.constant 0.000000e+00 : f32
    %max3A_711 = vector.broadcast %max3A_710 : f32 to vector<80x16xf32>
    %max3A_712 = arith.maximumf %sub3A_709, %max3A_711 : vector<80x16xf32>
    %reduce_sum3A_713 = arith.constant dense<0.000000e+00> : vector<80xf32>
    %reduce_sum3A_714 = vector.multi_reduction <add>, %max3A_712, %reduce_sum3A_713 [1] : vector<80x16xf32> to vector<80xf32>
    %broadcast_in_dim3A_715 = vector.shape_cast %reduce_sum3A_714 : vector<80xf32> to vector<80x1xf32>
    %eq3A_716 = arith.constant 14 : i32
    %eq3A_717 = vector.broadcast %eq3A_716 : i32 to vector<80x16xi32>
    %eq3A_718 = arith.cmpi eq, %iota3A_496, %eq3A_717 : vector<80x16xi32>
    %broadcast_in_dim3A_719 = vector.shape_cast %broadcast_in_dim3A_715 : vector<80x1xf32> to vector<80x1xf32>
    %broadcast_in_dim3A_720 = vector.broadcast %broadcast_in_dim3A_719 : vector<80x1xf32> to vector<80x16xf32>
    %select_n3A_721 = arith.select %eq3A_718, %broadcast_in_dim3A_720, %select_n3A_706 : vector<80x16xi1>, vector<80x16xf32>
    %slice3A_722 = vector.extract_strided_slice %dot_general3A_493 {offsets = [0, 15], sizes = [80, 1], strides = [1, 1]} : vector<80x16xf32> to vector<80x1xf32>
    %sub3A_723 = vector.broadcast %slice3A_722 : vector<80x1xf32> to vector<80x16xf32>
    %sub3A_724 = arith.subf %dot_general3A_493, %sub3A_723 : vector<80x16xf32>
    %max3A_725 = arith.constant 0.000000e+00 : f32
    %max3A_726 = vector.broadcast %max3A_725 : f32 to vector<80x16xf32>
    %max3A_727 = arith.maximumf %sub3A_724, %max3A_726 : vector<80x16xf32>
    %reduce_sum3A_728 = arith.constant dense<0.000000e+00> : vector<80xf32>
    %reduce_sum3A_729 = vector.multi_reduction <add>, %max3A_727, %reduce_sum3A_728 [1] : vector<80x16xf32> to vector<80xf32>
    %broadcast_in_dim3A_730 = vector.shape_cast %reduce_sum3A_729 : vector<80xf32> to vector<80x1xf32>
    %eq3A_731 = arith.constant 15 : i32
    %eq3A_732 = vector.broadcast %eq3A_731 : i32 to vector<80x16xi32>
    %eq3A_733 = arith.cmpi eq, %iota3A_496, %eq3A_732 : vector<80x16xi32>
    %broadcast_in_dim3A_734 = vector.shape_cast %broadcast_in_dim3A_730 : vector<80x1xf32> to vector<80x1xf32>
    %broadcast_in_dim3A_735 = vector.broadcast %broadcast_in_dim3A_734 : vector<80x1xf32> to vector<80x16xf32>
    %select_n3A_736 = arith.select %eq3A_733, %broadcast_in_dim3A_735, %select_n3A_721 : vector<80x16xi1>, vector<80x16xf32>
    %lt3A_737 = arith.constant 1.000000e+00 : f32
    %lt3A_738 = vector.broadcast %lt3A_737 : f32 to vector<80x16xf32>
    %lt3A_739 = arith.cmpf olt, %select_n3A_736, %lt3A_738 : vector<80x16xf32>
    %convert_element_type3A_740 = arith.extui %lt3A_739 : vector<80x16xi1> to vector<80x16xi32>
    %convert_element_type3A_741 = arith.sitofp %convert_element_type3A_740 : vector<80x16xi32> to vector<80x16xf32>
    %reduce_sum3A_742 = arith.constant dense<0.000000e+00> : vector<80xf32>
    %reduce_sum3A_743 = vector.multi_reduction <add>, %convert_element_type3A_741, %reduce_sum3A_742 [1] : vector<80x16xf32> to vector<80xf32>
    %broadcast_in_dim3A_744 = vector.shape_cast %reduce_sum3A_743 : vector<80xf32> to vector<80x1xf32>
    %jit3A_745 = arith.constant 0.000000e+00 : f32
    %broadcast_in_dim3A_746 = vector.broadcast %jit3A_745 : f32 to vector<80x16xf32>
    %select_n3A_747 = arith.select %lt3A_739, %dot_general3A_493, %broadcast_in_dim3A_746 : vector<80x16xi1>, vector<80x16xf32>
    %reduce_sum3A_748 = arith.constant dense<0.000000e+00> : vector<80xf32>
    %reduce_sum3A_749 = vector.multi_reduction <add>, %select_n3A_747, %reduce_sum3A_748 [1] : vector<80x16xf32> to vector<80xf32>
    %broadcast_in_dim3A_750 = vector.shape_cast %reduce_sum3A_749 : vector<80xf32> to vector<80x1xf32>
    %sub3A_751 = arith.constant 1.000000e+00 : f32
    %sub3A_752 = vector.broadcast %sub3A_751 : f32 to vector<80x1xf32>
    %sub3A_753 = arith.subf %broadcast_in_dim3A_750, %sub3A_752 : vector<80x1xf32>
    %div3A_754 = arith.divf %sub3A_753, %broadcast_in_dim3A_744 : vector<80x1xf32>
    %sub3A_755 = vector.broadcast %div3A_754 : vector<80x1xf32> to vector<80x16xf32>
    %sub3A_756 = arith.subf %dot_general3A_493, %sub3A_755 : vector<80x16xf32>
    %max3A_757 = arith.constant 0.000000e+00 : f32
    %max3A_758 = vector.broadcast %max3A_757 : f32 to vector<80x16xf32>
    %max3A_759 = arith.maximumf %sub3A_756, %max3A_758 : vector<80x16xf32>
    %iota3A_760 = tpu.iota {dimensions = array<i32: 0>} : vector<1280x80xi32>
    %iota3A_761 = tpu.iota {dimensions = array<i32: 1>} : vector<1280x80xi32>
    %jit3A_762 = arith.constant 16 : i32
    %div3A_763 = vector.broadcast %jit3A_762 : i32 to vector<1280x80xi32>
    %div3A_764 = arith.divsi %iota3A_760, %div3A_763 : vector<1280x80xi32>
    %sign3A_765 = arith.constant 0 : i32
    %sign3A_766 = vector.broadcast %sign3A_765 : i32 to vector<1280x80xi32>
    %sign3A_767 = arith.cmpi sgt, %iota3A_760, %sign3A_766 : vector<1280x80xi32>
    %sign3A_768 = arith.extui %sign3A_767 : vector<1280x80xi1> to vector<1280x80xi32>
    %sign3A_769 = arith.constant 0 : i32
    %sign3A_770 = vector.broadcast %sign3A_769 : i32 to vector<1280x80xi32>
    %sign3A_771 = arith.cmpi slt, %iota3A_760, %sign3A_770 : vector<1280x80xi32>
    %sign3A_772 = arith.extui %sign3A_771 : vector<1280x80xi1> to vector<1280x80xi32>
    %sign3A_773 = arith.subi %sign3A_768, %sign3A_772 : vector<1280x80xi32>
    %sign3A_774 = arith.constant 0 : i32
    %sign3A_775 = arith.cmpi sgt, %jit3A_762, %sign3A_774 : i32
    %sign3A_776 = arith.extui %sign3A_775 : i1 to i32
    %sign3A_777 = arith.constant 0 : i32
    %sign3A_778 = arith.cmpi slt, %jit3A_762, %sign3A_777 : i32
    %sign3A_779 = arith.extui %sign3A_778 : i1 to i32
    %sign3A_780 = arith.subi %sign3A_776, %sign3A_779 : i32
    %ne3A_781 = vector.broadcast %sign3A_780 : i32 to vector<1280x80xi32>
    %ne3A_782 = arith.cmpi ne, %sign3A_773, %ne3A_781 : vector<1280x80xi32>
    %rem3A_783 = vector.broadcast %jit3A_762 : i32 to vector<1280x80xi32>
    %rem3A_784 = arith.remsi %iota3A_760, %rem3A_783 : vector<1280x80xi32>
    %ne3A_785 = arith.constant 0 : i32
    %ne3A_786 = vector.broadcast %ne3A_785 : i32 to vector<1280x80xi32>
    %ne3A_787 = arith.cmpi ne, %rem3A_784, %ne3A_786 : vector<1280x80xi32>
    %and3A_788 = arith.andi %ne3A_782, %ne3A_787 : vector<1280x80xi1>
    %sub3A_789 = arith.constant 1 : i32
    %sub3A_790 = vector.broadcast %sub3A_789 : i32 to vector<1280x80xi32>
    %sub3A_791 = arith.subi %div3A_764, %sub3A_790 : vector<1280x80xi32>
    %select_n3A_792 = arith.select %and3A_788, %sub3A_791, %div3A_764 : vector<1280x80xi1>, vector<1280x80xi32>
    %eq3A_793 = arith.cmpi eq, %select_n3A_792, %iota3A_761 : vector<1280x80xi32>
    %convert_element_type3A_794 = arith.extui %eq3A_793 : vector<1280x80xi1> to vector<1280x80xi32>
    %convert_element_type3A_795 = arith.sitofp %convert_element_type3A_794 : vector<1280x80xi32> to vector<1280x80xf32>
    %dot_general3A_796 = arith.constant dense<0.000000e+00> : vector<1280x16xf32>
    %dot_general3A_797 = tpu.matmul %convert_element_type3A_795, %max3A_759, %dot_general3A_796 {dimension_numbers = #tpu.dot_dimension_numbers<[1], [0], [0], [1], [0, 0, 1, 1], [], []>, transpose_lhs_hint = false} : vector<1280x80xf32>, vector<80x16xf32>, vector<1280x16xf32> -> vector<1280x16xf32>
    %jit3A_798 = arith.constant 0.000000e+00 : f32
    %broadcast_in_dim3A_799 = vector.broadcast %jit3A_798 : f32 to vector<1280x16xf32>
    %select_n3A_800 = arith.select %eq3A_453, %dot_general3A_797, %broadcast_in_dim3A_799 : vector<1280x16xi1>, vector<1280x16xf32>
    %reduce_sum3A_801 = arith.constant dense<0.000000e+00> : vector<1280xf32>
    %reduce_sum3A_802 = vector.multi_reduction <add>, %select_n3A_800, %reduce_sum3A_801 [1] : vector<1280x16xf32> to vector<1280xf32>
    %broadcast_in_dim3A_803 = vector.shape_cast %reduce_sum3A_802 : vector<1280xf32> to vector<1280x1xf32>
    %mul3A_804 = vector.broadcast %broadcast_in_dim3A_803 : vector<1280x1xf32> to vector<1280x64xf32>
    %mul3A_805 = arith.mulf %mul3A_804, %max3A_428 : vector<1280x64xf32>
    %dot_general3A_806 = arith.constant dense<0.000000e+00> : vector<80x64xf32>
    %dot_general3A_807 = tpu.matmul %convert_element_type3A_491, %mul3A_805, %dot_general3A_806 {dimension_numbers = #tpu.dot_dimension_numbers<[1], [0], [0], [1], [0, 0, 1, 1], [], []>, transpose_lhs_hint = false} : vector<80x1280xf32>, vector<1280x64xf32>, vector<80x64xf32> -> vector<80x64xf32>
    %get3A_808 = arith.constant 4 : index
    %get3A_809 = arith.constant 0 : index
    %get3A_810 = vector.load %arg8[%get3A_808, %get3A_809] : memref<8x512xf32, #tpu.memory_space<vmem>>, vector<1x64xf32>
    %get3A_811 = arith.constant 0 : index
    %get3A_812 = arith.constant 0 : index
    %get3A_813 = vector.load %arg5[%get3A_811, %get3A_812] : memref<80x64xf32, #tpu.memory_space<vmem>>, vector<80x64xf32>
    %get3A_814 = arith.constant 0 : index
    %get3A_815 = arith.constant 64 : index
    %get3A_816 = vector.load %arg9[%get3A_814, %get3A_815] : memref<64x128xf32, #tpu.memory_space<vmem>>, vector<64x64xf32>
    %dot_general3A_817 = arith.constant dense<0.000000e+00> : vector<80x64xf32>
    %dot_general3A_818 = tpu.matmul %dot_general3A_807, %get3A_816, %dot_general3A_817 {dimension_numbers = #tpu.dot_dimension_numbers<[1], [0], [0], [1], [0, 0, 1, 1], [], []>, transpose_lhs_hint = false} : vector<80x64xf32>, vector<64x64xf32>, vector<80x64xf32> -> vector<80x64xf32>
    %add3A_819 = arith.addf %get3A_813, %dot_general3A_818 : vector<80x64xf32>
    %add3A_820 = vector.broadcast %get3A_810 : vector<1x64xf32> to vector<80x64xf32>
    %add3A_821 = arith.addf %add3A_819, %add3A_820 : vector<80x64xf32>
    %max3A_822 = arith.constant 0.000000e+00 : f32
    %max3A_823 = vector.broadcast %max3A_822 : f32 to vector<80x64xf32>
    %max3A_824 = arith.maximumf %add3A_821, %max3A_823 : vector<80x64xf32>
    %swap3A = arith.constant 0 : index
    %swap3A_825 = arith.constant 0 : index
    %swap3A_826 = vector.load %arg10[%swap3A, %swap3A_825] : memref<80x64xf32, #tpu.memory_space<vmem>>, vector<80x64xf32>
    tpu.vector_store %arg10[%swap3A, %swap3A_825], %max3A_824 {strides = array<i32>} : memref<80x64xf32, #tpu.memory_space<vmem>>, vector<80x64xf32>,
    return
  }
  func.func @transform_0(%arg0: i32) -> (i32, i32) {
    %c0_i32 = arith.constant 0 : i32
    %c0_i32_0 = arith.constant 0 : i32
    return %arg0, %c0_i32 : i32, i32
  }
  func.func @transform_1(%arg0: i32) -> (i32, i32) {
    %c0_i32 = arith.constant 0 : i32
    %c0_i32_0 = arith.constant 0 : i32
    return %arg0, %c0_i32 : i32, i32
  }
  func.func @transform_2(%arg0: i32) -> (i32, i32) {
    %c0_i32 = arith.constant 0 : i32
    %c0_i32_0 = arith.constant 0 : i32
    return %arg0, %c0_i32 : i32, i32
  }
  func.func @transform_3(%arg0: i32) -> (i32, i32) {
    %c0_i32 = arith.constant 0 : i32
    %c0_i32_0 = arith.constant 0 : i32
    return %arg0, %c0_i32 : i32, i32
  }
  func.func @transform_4(%arg0: i32) -> (i32, i32) {
    %c0_i32 = arith.constant 0 : i32
    %c0_i32_0 = arith.constant 0 : i32
    return %arg0, %c0_i32 : i32, i32
  }
  func.func @transform_5(%arg0: i32) -> (i32, i32) {
    %c0_i32 = arith.constant 0 : i32
    %c0_i32_0 = arith.constant 0 : i32
    %c0_i32_1 = arith.constant 0 : i32
    return %c0_i32, %c0_i32_0 : i32, i32
  }
  func.func @transform_6(%arg0: i32) -> (i32, i32) {
    %c0_i32 = arith.constant 0 : i32
    %c0_i32_0 = arith.constant 0 : i32
    %c0_i32_1 = arith.constant 0 : i32
    return %c0_i32, %c0_i32_0 : i32, i32
  }
  func.func @transform_7(%arg0: i32) -> (i32, i32) {
    %c0_i32 = arith.constant 0 : i32
    %c0_i32_0 = arith.constant 0 : i32
    %c0_i32_1 = arith.constant 0 : i32
    return %c0_i32, %c0_i32_0 : i32, i32
  }
  func.func @transform_8(%arg0: i32) -> (i32, i32) {
    %c0_i32 = arith.constant 0 : i32
    %c0_i32_0 = arith.constant 0 : i32
    %c0_i32_1 = arith.constant 0 : i32
    return %c0_i32, %c0_i32_0 : i32, i32
  }
  func.func @transform_9(%arg0: i32) -> (i32, i32) {
    %c0_i32 = arith.constant 0 : i32
    %c0_i32_0 = arith.constant 0 : i32
    return %arg0, %c0_i32 : i32, i32
  }
}

</mosaic_0001>

<sc_bundles>
// kernel: kernel.5.cloned.1.call-start
scs
__scs_entry_jumppad:
0x0: {  	(pc) =	sbr.rel $0x88, $3  }
0x1: {  	(tag) =	ssettag $0x0;
	lr =	simm.s32 $0x1  }
0x2: {  	[smem:$0x3F8B] =	sst lr;
	_ =	strace $0xD0000000  }
0x3: {  	_ = 	snop  }
0x4: {  	_ = 	snop  }
0x5: {  	_ = 	snop  }
0x6: {  	_ = 	snop  }
0x7: {  	_ = 	snop  }
__scs_overlays_trampoline_lowered:
0x8: {  	[smem:$0x3F9A] =	sst s0  }
0x9: {  	[smem:$0x3F9B] =	sst s1  }
0xa: {  	[smem:$0x3F9C] =	sst s2  }
0xb: {  	[smem:$0x3F9D] =	sst s3  }
0xc: {  	[smem:$0x3F9E] =	sst s4  }
0xd: {  	[smem:$0x3F9F] =	sst s5  }
0xe: {  	[smem:$0x3FA0] =	sst s6  }
0xf: {  	[smem:$0x3FA1] =	sst s7  }
0x10: {  	[smem:$0x3FA2] =	sst s8  }
0x11: {  	[smem:$0x3FA3] =	sst s9;
	s0 =	simm.s32 @!p0 $0x0  }
0x12: {  	s1 =	sld [smem:$0x3F89];
	s0 =	simm.s32 @p0 $0x1  }
0x13: {  	[smem:$0x3FA4] =	sst s0;
	s0 =	simm.s32 @!p1 $0x0  }
0x14: {  	s2 =	sld [smem:$0x3F88];
	s0 =	simm.s32 @p1 $0x1  }
0x15: {  	[smem:$0x3FA5] =	sst s0;
	s0 =	simm.s32 @!p2 $0x0  }
0x16: {  	s3 =	sld [smem:$0x3FDB];
	s0 =	simm.s32 @p2 $0x1  }
0x17: {  	s4 =	simm.s32 $0x1BF5;
	[smem:$0x3FA7] =	sst s0  }
0x18: {  	s0 =	sld [smem:$0x3F8A];
	_ =	swait.ge [sflag:s4], $0x0  }
0x19: {  	s7 =	sld [smem:$0x3F8B]  }
0x1a: {  	s8 =	sadd.s32 $0xFFFFE003, lr  }
0x1b: {  	s9 =	sadd.s32 $0xFFFFFEF7, lr;
	s5 =	simm.s32 $0xFFFFFFFF;
	p2 =	slt.u32 s8, $0xFFFFF086  }
0x1c: {  	p1 =	slt.u32 s9, $0xF7A;
	s5 =	simm.s32 @!p2 $0x0  }
0x1d: {  	s5 =	simm.s32 @p1 $0x1;
	p0 =	seq.s32 s7, s2  }
0x1e: {  	s7 =	smul.u32 @!p0 $0xF7A, s2;
	p2 =	seq.s32 @!p0 s5, $0x0  }
0x1f: {  	s9 =	smul.u32 $0xF7A, s1;
	s8 =	simm.s32 @!p0 $0x1BF5;
	p2 =	por !p2, p0  }
0x20: {  	[sflag:s8] =	ssyncset.s32 @!p0 $0xFFFFF086;
	s6 =	sadd.s32 @!p0 s3, s7;
	s7 =	simm.s32 @!p0 $0x108  }
0x21: {  	s3 =	sadd.s32 s3, s9;
	s6 =	sadd.s32 @!p0 $0x88, s6;
	s7 =	simm.s32 @p2 $0x1082  }
0x22: {  	[simem:s7], [sflag:s8] =	dma.local @!p0 [hbm:s6], $0xF7A  }
0x23: {  	s9 =	sor.u32 $0xD0000000, s2;
	s6 =	simm.s32 $0x108;
	_ =	swait.ge @!p0 [sflag:s8], $0x0  }
0x24: {  	s3 =	sadd.s32 $0x88, s3;
	s6 =	simm.s32 @!p1 $0x1082;
	[sflag:s4] =	ssyncset.s32 $0xFFFFF086  }
0x25: {  	[simem:s6], [sflag:s4] =	dma.local [hbm:s3], $0xF7A  }
0x26: {  	[smem:$0x3F8B] =	sst s1;
	(tag) =	ssettag s2;
	_ =	strace s9  }
0x27: {  	s1 =	sld [smem:$0x3F9B]  }
0x28: {  	s2 =	sld [smem:$0x3F9C]  }
0x29: {  	s4 =	sld [smem:$0x3F9E]  }
0x2a: {  	p0 =	seq.s32 s5, $0x0;
	s5 =	sld [smem:$0x3F9F]  }
0x2b: {  	s6 =	sld [smem:$0x3FA0]  }
0x2c: {  	s7 =	sld [smem:$0x3FA1]  }
0x2d: {  	s3 =	simm.s32 $0x108;
	s8 =	sld [smem:$0x3FA2]  }
0x2e: {  	s3 =	simm.s32 @!p0 $0x1082;
	s9 =	sld [smem:$0x3FA3]  }
0x2f: {  	lr =	sadd.s32 s0, s3;
	s0 =	sld [smem:$0x3F9A]  }
0x30: {  	s3 =	sld [smem:$0x3F9D]  }
0x31: {  	[smem:$0x3FA6] =	sst s10  }
0x32: {  	s10 =	sld [smem:$0x3FA4];
	_ =	sdelay $0x3  }
0x33: {  	p0 =	seq.s32 s10, $0x1;
	s10 =	sld [smem:$0x3FA6];
	_ =	sdelay $0x3  }
0x34: {  	[smem:$0x3FA6] =	sst s10  }
0x35: {  	s10 =	sld [smem:$0x3FA5];
	_ =	sdelay $0x3  }
0x36: {  	p1 =	seq.s32 s10, $0x1;
	s10 =	sld [smem:$0x3FA6];
	_ =	sdelay $0x3  }
0x37: {  	[smem:$0x3FA6] =	sst s10  }
0x38: {  	s10 =	sld [smem:$0x3FA7]  }
0x39: {  	_ = 	snop;
	(pc) =	sbr.ind lr, $3  }
0x3a: {  	_ = 	snop  }
0x3b: {  	_ = 	snop  }
0x3c: {  	p2 =	seq.s32 s10, $0x1;
	s10 =	sld [smem:$0x3FA6]  }
0x3d: {  	_ =	shalt  }
0x3e: {  	_ =	shalt  }
0x3f: {  	_ =	shalt  }
0x40: {  	_ =	shalt  }
0x41: {  	_ =	shalt  }
0x42: {  	_ =	shalt  }
0x43: {  	_ =	shalt  }
0x44: {  	_ =	shalt  }
0x45: {  	_ =	shalt  }
0x46: {  	_ =	shalt  }
0x47: {  	_ =	shalt  }
0x48: {  	_ =	shalt  }
0x49: {  	_ =	shalt  }
0x4a: {  	_ =	shalt  }
0x4b: {  	_ =	shalt  }
0x4c: {  	_ =	shalt  }
0x4d: {  	_ =	shalt  }
0x4e: {  	_ =	shalt  }
0x4f: {  	_ =	shalt  }
0x50: {  	_ =	shalt  }
0x51: {  	_ =	shalt  }
0x52: {  	_ =	shalt  }
0x53: {  	_ =	shalt  }
0x54: {  	_ =	shalt  }
0x55: {  	_ =	shalt  }
0x56: {  	_ =	shalt  }
0x57: {  	_ =	shalt  }
0x58: {  	_ =	shalt  }
0x59: {  	_ =	shalt  }
0x5a: {  	_ =	shalt  }
0x5b: {  	_ =	shalt  }
0x5c: {  	_ =	shalt  }
0x5d: {  	_ =	shalt  }
0x5e: {  	_ =	shalt  }
0x5f: {  	_ =	shalt  }
0x60: {  	_ =	shalt  }
0x61: {  	_ =	shalt  }
0x62: {  	_ =	shalt  }
0x63: {  	_ =	shalt  }
0x64: {  	_ =	shalt  }
0x65: {  	_ =	shalt  }
0x66: {  	_ =	shalt  }
0x67: {  	_ =	shalt  }
0x68: {  	_ =	shalt  }
0x69: {  	_ =	shalt  }
0x6a: {  	_ =	shalt  }
0x6b: {  	_ =	shalt  }
0x6c: {  	_ =	shalt  }
0x6d: {  	_ =	shalt  }
0x6e: {  	_ =	shalt  }
0x6f: {  	_ =	shalt  }
0x70: {  	_ =	shalt  }
0x71: {  	_ =	shalt  }
0x72: {  	_ =	shalt  }
0x73: {  	_ =	shalt  }
0x74: {  	_ =	shalt  }
0x75: {  	_ =	shalt  }
0x76: {  	_ =	shalt  }
0x77: {  	_ =	shalt  }
0x78: {  	_ =	shalt  }
0x79: {  	_ =	shalt  }
0x7a: {  	_ =	shalt  }
0x7b: {  	_ =	shalt  }
0x7c: {  	_ =	shalt  }
0x7d: {  	_ =	shalt  }
0x7e: {  	_ =	shalt  }
0x7f: {  	_ =	shalt  }
0x80: {  	_ =	shalt  }
0x81: {  	_ =	shalt  }
0x82: {  	_ =	shalt  }
0x83: {  	_ =	shalt  }
0x84: {  	_ =	shalt  }
0x85: {  	_ =	shalt  }
0x86: {  	_ =	shalt  }
0x87: {  	_ =	shalt  }
.Lfunc_end0:
.L_simem_size_0:
called_computation_lowered:
.L_overlay_start_0:
0x88: {  	s2 =	sld [smem:$0x3FD9]  }
0x89: {  	s3 =	sld [smem:$0x3FFE];
	_ =	sdelay $0x1  }
0x8a: {  	s1 =	srdreg.scid  }
0x8b: {  	s0 =	sand.u32 $0x1, s1  }
0x8c: {  	s17 =	sshll.u32 s0, $0xA;
	s2 =	sadd.s32 s3, s2  }
0x8d: {  	s2 =	sadd.s32 s2, s17  }
0x8e: {  	[smem:$0x3FB2] =	sst s2  }
0x8f: {  	_ = 	snop  }
0x90: {  	s2 =	sld [smem:$0x3FC8]  }
0x91: {  	s18 =	sld [smem:$0x3FD0];
	(tm) =	ssettm $0x1  }
0x92: {  	s4 =	sld [smem:$0x3FFB];
	_ =	sdelay $0x3  }
0x93: {  	_ =	strace s4  }
0x94: {  	s4 =	sld [smem:$0x3FFC];
	_ =	sdelay $0x3  }
0x95: {  	_ =	strace s4  }
0x96: {  	s4 =	sld [smem:$0x3FFD];
	_ =	sdelay $0x3  }
0x97: {  	_ =	strace s4  }
0x98: {  	_ =	strace $0x8FFFFFFF  }
0x99: {  	s19 =	sld [smem:$0x3FDB];
	_ =	sdelay $0x1  }
0x9a: {  	s5 =	simm.s32 $_scs_section_size  }
0x9b: {  	s6 =	simm.s32 $_size__tile_overlayer_lowered;
	s7 =	simm.s32 $_tile_overlayer_lowered  }
0x9c: {  	s22 =	simm.s32 $0x1BFF;
	s21 =	sshll.u32 s7, $0x1;
	s4 =	sadd.s32 s5, s19  }
0x9d: {  	s8 =	simm.s32 $0x0;
	s20 =	sshll.u32 s6, $0x1;
	s6 =	sadd.s32 s21, s4  }
0x9e: {  	[timem:s8], [sflag:s22] =	dma.local [hbm:s6], s20  }
0x9f: {  	_ =	swait.ge [sflag:s22], s20  }
0xa0: {  	s5 =	ssub.s32 $0x0, s20;
	[sflag:s22] =	ssyncset.done $0x0  }
0xa1: {  	[sflag:s22] =	ssyncadd.s32 s5;
	_ =	sdelay $0x1  }
0xa2: {  	s23 =	simm.s32 $0x1B8B  }
0xa3: {  	_ =	swait.ge [sflag:s23], $0x1  }
0xa4: {  	[sflag:s23] =	ssyncset.done $0x0  }
0xa5: {  	s25 =	simm.s32 $0x1B8E;
	s24 =	sld [smem:$0x3FFE];
	[sflag:s23] =	ssyncadd.s32 $0xFFFFFFFF  }
0xa6: {  	s26 =	simm.s32 $execute0_lowered;
	[smem:$0x3FD2] =	sst s25  }
0xa7: {  	s6 =	sshll.u32 s26, $0x1;
	_ =	strace $0x80000046;
	[dreg:$0x1] =	wrdreg $0xFFFFFFFF  }
0xa8: {  	s28 =	simm.s32 $_size_execute0_lowered;
	s4 =	sadd.s32 s4, s6;
	[dreg:$0x0] =	wrdreg $0x0  }
0xa9: {  	s6 =	sshll.u32 s28, $0x1;
	[dreg:$0x2] =	wrdreg s4  }
0xaa: {  	[dreg:$0x3] =	wrdreg s6  }
0xab: {  	[dreg:$0x4] =	wrdreg $0xC0  }
0xac: {  	_ =	task [dreg:s8], $0x5FFFF  }
0xad: {  	[dreg:$0x1] =	wrdreg $0xFFFFFFFF  }
0xae: {  	[dreg:$0x0] =	wrdreg $0x60  }
0xaf: {  	[dreg:$0x2] =	wrdreg s18  }
0xb0: {  	[dreg:$0x3] =	wrdreg s2  }
0xb1: {  	[dreg:$0x4] =	wrdreg s24  }
0xb2: {  	[dreg:$0x5] =	wrdreg $0x9  }
0xb3: {  	_ =	task.clear_ibuf [dreg:s8], $0x6FFFF;
	_ =	strace $0x90000046  }
0xb4: {  	s29 =	simm.s32 $0x9;
	_ =	strace $0x80000048  }
0xb5: {  	_ =	swait.ge [sflag:s29], $0x1  }
0xb6: {  	[sflag:s29] =	ssyncadd.s32 $0xFFFFFFFF  }
0xb7: {  	_ =	strace $0x90000048  }
0xb8: {  	_ =	sfence  }
0xb9: {  	s30 =	sld [smem:$0x0];
	_ =	sdelay $0x2  }
0xba: {  	s31 =	sshll.u32 s1, $0xD;
	s1 =	sshrl.u32 s1, $0x2  }
0xbb: {  	s3 =	sand.u32 $0x4000, s31;
	s1 =	sadd.s32 s1, s30  }
0xbc: {  	s0 =	sor.u32 s3, s0;
	s1 =	sshll.u32 s1, $0x11  }
0xbd: {  	s0 =	sor.u32 s1, s0  }
0xbe: {  	s0 =	sadd.s32 $0x8F2B, s0  }
0xbf: {  	[sflag:s0] =	ssyncadd.remote.s32 $0x1  }
0xc0: {  	_ =	sfence.sel $0xFFFF  }
0xc1: {  	[dreg:$0x0] =	wrdreg $0xFFFFFFFF;
	(pc) =	sbr.abs _section_cstart, $3  }
0xc2: {  	[dreg:$0x1] =	wrdreg $0xFFFFFFFF  }
0xc3: {  	_ =	task.clear_ibuf [dreg:s8], $0x2FFFF;
	_ =	strace $0x9FFFFFFF  }
0xc4: {  	(tm) =	ssettm $0x7FFFFFFF  }
0xc5: {  	_ =	shalt  }
tec
execute0_lowered:
.L_overlay_start_1:
0x0: {  	(tag) =	ssettag $0x1  }
0x1: {  	s1 =	rddreg [dreg:$0x0]  }
0x2: {  	s2 =	srdreg.scid;
	s0 =	stileid.u32  }
0x3: {  	s4 =	rddreg [dreg:$0x1];
	s15 =	sand.u32 $0x1, s2;
	s31 =	sshll.u32 s0, $0x1  }
0x4: {  	s9 =	rddreg [dreg:$0x2];
	s10 =	sor.u32 s15, s31  }
0x5: {  	s3 =	simm.s32 $0x0;
	s2 =	rddreg [dreg:$0x3];
	s5 =	smul.u32 $0x271, s10  }
0x6: {  	[smem:$0x7FF] =	sst s3  }
0x7: {  	_ =	strace $0x80000047;
	s5 =	sadd.s32 s4, s5;
	s4 =	simm.s32 $0x2  }
0x8: {  	[tilespmem:s3], [sflag:$0x2] =	stream.linear.gather [hbm4b:s5+s3], $0x1388, $0x38;
	[tilespmem:$0x10D88] =	vst v63  }
0x9: {  	_ =	swait.ge [sflag:s4], $0x1388  }
0xa: {  	s6 =	simm.s32 $0x3E8;
	[sflag:s4] =	ssyncset.done $0x0  }
0xb: {  	s7 =	simm.s32 $0x1388;
	s8 =	simm.s32 $0x1;
	[sflag:s4] =	ssyncadd.s32 $0xFFFFEC78  }
0xc: {  	[tilespmem:s7], [sflag:$0x1] =	stream.indirect.gather [hbm4b:s1+s6], $0x40, s3, s6, $0xb8;
	[tilespmem:$0x10D88] =	vst v63  }
0xd: {  	s11 =	smul.u32 $0x9C40, s10;
	_ =	swait.ge [sflag:s8], $0xFA00  }
0xe: {  	s12 =	sadd.s32 $0x2C200, s9;
	[sflag:s8] =	ssyncset.done $0x0  }
0xf: {  	s9 =	sadd.s32 s12, s11;
	[sflag:s8] =	ssyncadd.s32 $0xFFFF0600  }
0x10: {  	[hbm4b:s9+s3] =	stream.linear.scatter [tilespmem:s7], [sflag:$0x2], $0xFA00, $0x38;
	[tilespmem:$0x10D88] =	vst v63  }
0x11: {  	_ =	swait.ge [sflag:s4], $0xFA00  }
0x12: {  	[sflag:s4] =	ssyncset.done $0x0  }
0x13: {  	s10 =	smul.u32 $0x4E200, s10;
	[sflag:s4] =	ssyncadd.s32 $0xFFFF0600  }
0x14: {  	[tilespmem:s7], [sflag:$0x1] =	stream.indirect.gather [hbm4b:s1+s6], $0x40, s6, s6, $0xb8;
	[tilespmem:$0x10D88] =	vst v63  }
0x15: {  	s10 =	sshrl.u32 s10, $0x3;
	_ =	swait.ge [sflag:s8], $0xFA00  }
0x16: {  	s16 =	sadd.s32 s12, s10;
	[sflag:s8] =	ssyncset.done $0x0  }
0x17: {  	s10 =	sadd.s32 $0x1F40, s16;
	[sflag:s8] =	ssyncadd.s32 $0xFFFF0600  }
0x18: {  	[hbm4b:s10+s3] =	stream.linear.scatter [tilespmem:s7], [sflag:$0x2], $0xFA00, $0x38;
	[tilespmem:$0x10D88] =	vst v63  }
0x19: {  	_ =	swait.ge [sflag:s4], $0xFA00  }
0x1a: {  	[sflag:s4] =	ssyncset.done $0x0  }
0x1b: {  	s11 =	simm.s32 $0x7D0;
	[sflag:s4] =	ssyncadd.s32 $0xFFFF0600  }
0x1c: {  	[tilespmem:s7], [sflag:$0x1] =	stream.indirect.gather [hbm4b:s1+s6], $0x40, s11, s6, $0xb8;
	[tilespmem:$0x10D88] =	vst v63  }
0x1d: {  	_ =	swait.ge [sflag:s8], $0xFA00  }
0x1e: {  	[sflag:s8] =	ssyncset.done $0x0  }
0x1f: {  	s12 =	sadd.s32 $0x3E80, s16;
	[sflag:s8] =	ssyncadd.s32 $0xFFFF0600  }
0x20: {  	[hbm4b:s12+s3] =	stream.linear.scatter [tilespmem:s7], [sflag:$0x2], $0xFA00, $0x38;
	[tilespmem:$0x10D88] =	vst v63  }
0x21: {  	_ =	swait.ge [sflag:s4], $0xFA00  }
0x22: {  	[sflag:s4] =	ssyncset.done $0x0  }
0x23: {  	s13 =	simm.s32 $0xBB8;
	[sflag:s4] =	ssyncadd.s32 $0xFFFF0600  }
0x24: {  	[tilespmem:s7], [sflag:$0x1] =	stream.indirect.gather [hbm4b:s1+s6], $0x40, s13, s6, $0xb8;
	[tilespmem:$0x10D88] =	vst v63  }
0x25: {  	_ =	swait.ge [sflag:s8], $0xFA00  }
0x26: {  	[sflag:s8] =	ssyncset.done $0x0  }
0x27: {  	s17 =	ssub.s32 $0x2, s15;
	s14 =	sadd.s32 $0x5DC0, s16;
	[sflag:s8] =	ssyncadd.s32 $0xFFFF0600  }
0x28: {  	[hbm4b:s14+s3] =	stream.linear.scatter [tilespmem:s7], [sflag:$0x2], $0xFA00, $0x38;
	[tilespmem:$0x10D88] =	vst v63  }
0x29: {  	s18 =	sshrl.u32 s17, $0x1;
	_ =	swait.ge [sflag:s4], $0xFA00  }
0x2a: {  	s17 =	ssub.s32 s17, s18;
	[sflag:s4] =	ssyncset.done $0x0  }
0x2b: {  	s15 =	simm.s32 $0xFA0;
	s17 =	smax.u32 s17, $0x1;
	[sflag:s4] =	ssyncadd.s32 $0xFFFF0600  }
0x2c: {  	[tilespmem:s7], [sflag:$0x1] =	stream.indirect.gather [hbm4b:s1+s6], $0x40, s15, s6, $0xb8;
	[tilespmem:$0x10D88] =	vst v63  }
0x2d: {  	p0 =	sne.s32 s17, $0x1;
	_ =	swait.ge [sflag:s8], $0xFA00  }
.Ltmp0:
0x2e: {  	[sflag:s8] =	ssyncset.done $0x0;
	(pc) =	sbr.rel @!p0 .LBB2_2-.Ltmp0, $4  }
0x2f: {  	s16 =	sadd.s32 $0x7D00, s16;
	[sflag:s8] =	ssyncadd.s32 $0xFFFF0600  }
0x30: {  	[hbm4b:s16+s3] =	stream.linear.scatter [tilespmem:s7], [sflag:$0x2], $0xFA00, $0x38;
	[tilespmem:$0x10D88] =	vst v63  }
0x31: {  	_ =	swait.ge [sflag:s4], $0xFA00  }
0x32: {  	s17 =	sadd.s32 $0xFFFFFFFF, s17;
	[sflag:s4] =	ssyncset.done $0x0  }
.LBB2_1:
0x33: {  	p0 =	sne.s32 s17, $0x1;
	s17 =	sadd.s32 $0xFFFFFFFF, s17;
	[sflag:s4] =	ssyncadd.s32 $0xFFFF0600  }
0x34: {  	[tilespmem:s3], [sflag:$0x2] =	stream.linear.gather [hbm4b:s5+s3], $0x1388, $0x38;
	[tilespmem:$0x10D88] =	vst v63  }
0x35: {  	_ =	swait.ge [sflag:s4], $0x1388  }
0x36: {  	[sflag:s4] =	ssyncset.done $0x0  }
0x37: {  	[sflag:s4] =	ssyncadd.s32 $0xFFFFEC78  }
0x38: {  	[tilespmem:s7], [sflag:$0x1] =	stream.indirect.gather [hbm4b:s1+s6], $0x40, s3, s6, $0xb8;
	[tilespmem:$0x10D88] =	vst v63  }
0x39: {  	_ =	swait.ge [sflag:s8], $0xFA00  }
0x3a: {  	[sflag:s8] =	ssyncset.done $0x0  }
0x3b: {  	[sflag:s8] =	ssyncadd.s32 $0xFFFF0600  }
0x3c: {  	[hbm4b:s9+s3] =	stream.linear.scatter [tilespmem:s7], [sflag:$0x2], $0xFA00, $0x38;
	[tilespmem:$0x10D88] =	vst v63  }
0x3d: {  	_ =	swait.ge [sflag:s4], $0xFA00  }
0x3e: {  	[sflag:s4] =	ssyncset.done $0x0  }
0x3f: {  	[sflag:s4] =	ssyncadd.s32 $0xFFFF0600  }
0x40: {  	[tilespmem:s7], [sflag:$0x1] =	stream.indirect.gather [hbm4b:s1+s6], $0x40, s6, s6, $0xb8;
	[tilespmem:$0x10D88] =	vst v63  }
0x41: {  	_ =	swait.ge [sflag:s8], $0xFA00  }
0x42: {  	[sflag:s8] =	ssyncset.done $0x0  }
0x43: {  	[sflag:s8] =	ssyncadd.s32 $0xFFFF0600  }
0x44: {  	[hbm4b:s10+s3] =	stream.linear.scatter [tilespmem:s7], [sflag:$0x2], $0xFA00, $0x38;
	[tilespmem:$0x10D88] =	vst v63  }
0x45: {  	_ =	swait.ge [sflag:s4], $0xFA00  }
0x46: {  	[sflag:s4] =	ssyncset.done $0x0  }
0x47: {  	[sflag:s4] =	ssyncadd.s32 $0xFFFF0600  }
0x48: {  	[tilespmem:s7], [sflag:$0x1] =	stream.indirect.gather [hbm4b:s1+s6], $0x40, s11, s6, $0xb8;
	[tilespmem:$0x10D88] =	vst v63  }
0x49: {  	_ =	swait.ge [sflag:s8], $0xFA00  }
0x4a: {  	[sflag:s8] =	ssyncset.done $0x0  }
0x4b: {  	[sflag:s8] =	ssyncadd.s32 $0xFFFF0600  }
0x4c: {  	[hbm4b:s12+s3] =	stream.linear.scatter [tilespmem:s7], [sflag:$0x2], $0xFA00, $0x38;
	[tilespmem:$0x10D88] =	vst v63  }
0x4d: {  	_ =	swait.ge [sflag:s4], $0xFA00  }
0x4e: {  	[sflag:s4] =	ssyncset.done $0x0  }
0x4f: {  	[sflag:s4] =	ssyncadd.s32 $0xFFFF0600  }
0x50: {  	[tilespmem:s7], [sflag:$0x1] =	stream.indirect.gather [hbm4b:s1+s6], $0x40, s13, s6, $0xb8;
	[tilespmem:$0x10D88] =	vst v63  }
0x51: {  	_ =	swait.ge [sflag:s8], $0xFA00  }
0x52: {  	[sflag:s8] =	ssyncset.done $0x0  }
0x53: {  	[sflag:s8] =	ssyncadd.s32 $0xFFFF0600  }
0x54: {  	[hbm4b:s14+s3] =	stream.linear.scatter [tilespmem:s7], [sflag:$0x2], $0xFA00, $0x38;
	[tilespmem:$0x10D88] =	vst v63  }
0x55: {  	_ =	swait.ge [sflag:s4], $0xFA00  }
0x56: {  	[sflag:s4] =	ssyncset.done $0x0  }
0x57: {  	[sflag:s4] =	ssyncadd.s32 $0xFFFF0600  }
0x58: {  	[tilespmem:s7], [sflag:$0x1] =	stream.indirect.gather [hbm4b:s1+s6], $0x40, s15, s6, $0xb8;
	[tilespmem:$0x10D88] =	vst v63  }
0x59: {  	_ =	swait.ge [sflag:s8], $0xFA00  }
.Ltmp1:
0x5a: {  	[sflag:s8] =	ssyncset.done $0x0;
	(pc) =	sbr.rel @p0 .LBB2_1-.Ltmp1, $4  }
0x5b: {  	[sflag:s8] =	ssyncadd.s32 $0xFFFF0600  }
0x5c: {  	[hbm4b:s16+s3] =	stream.linear.scatter [tilespmem:s7], [sflag:$0x2], $0xFA00, $0x38;
	[tilespmem:$0x10D88] =	vst v63  }
0x5d: {  	_ =	swait.ge [sflag:s4], $0xFA00  }
0x5e: {  	[sflag:s4] =	ssyncset.done $0x0  }
.LBB2_2:
0x5f: {  	[sflag:s4] =	ssyncadd.s32 $0xFFFF0600  }
0x60: {  	_ =	sfence.sel $0x180000  }
0x61: {  	[bflag:$0x0] =	sbarrier.arrive $0xFFFF  }
0x62: {  	p0 =	sne.s32 s0, $0x0;
	_ =	strace $0x90000047  }
0x63: {  	s0 =	sadd.s32 @!p0 $0x100000, s2;
	[bflag:$0x2] =	sbarrier.arrive $0xFFFF  }
0x64: {  	[sflag:s0] =	ssyncadd.tile.s32 @!p0 $0x1;
	_ =	shalt  }
.Lfunc_end2:
_tile_overlayer_lowered:
.L_overlay_start_2:
0x65: {  	(tag) =	ssettag $0x2  }
0x66: {  	s0 =	rddreg [dreg:$0x0];
	s2 =	stileid.u32  }
0x67: {  	s1 =	rddreg [dreg:$0x1];
	p0 =	sne.s32 s2, $0x0  }
0x68: {  	s3 =	rddreg [dreg:$0x2];
	[bflag:$0x3] =	sbarrier.arrive $0xFFFF;
	s2 =	simm.s32 @!p0 $0x1C02  }
0x69: {  	[timem:s3], [sflag:s2] =	dma.local @!p0 [hbm:s0], s1  }
0x6a: {  	s0 =	simm.s32 @!p0 $0x2  }
0x6b: {  	_ =	swait.ge @!p0 [sflag:s0], s1  }
0x6c: {  	s1 =	ssub.s32 @!p0 $0x0, s1;
	[sflag:s0] =	ssyncset.done @!p0 $0x0  }
0x6d: {  	[sflag:s0] =	ssyncadd.s32 @!p0 s1  }
0x6e: {  	[bflag:$0x3] =	sbarrier.arrive $0xFFFF  }
0x6f: {  	_ =	shalt  }

</sc_bundles>
